<compile_context>
chip_gen: v7x
topology: tpu7x:2x2x1
jax: 0.10.2.dev20260603
libtpu: 0.0.44.dev20260713+nightly
codegen_flags: <defaults>
</compile_context>

<pallas_src>
import functools

import jax
import jax.numpy as jnp
from jax import lax
from jax.experimental import pallas as pl
from jax.experimental.pallas import tpu as pltpu
from jax.experimental.pallas import tpu_sc as plsc

_NA = 7
_OUT = _NA * 2
_OUTP = 128
_TILE = 256
_NW = 32



def _routing(ids, E, T):
    G = T // _TILE + E
    B = G * _TILE
    eids = jnp.arange(E, dtype=jnp.int32)
    oh = (ids[:, None] == eids[None, :]).astype(jnp.int32)
    counts = oh.sum(axis=0)
    rank = jnp.take_along_axis(jnp.cumsum(oh, axis=0) - oh,
                               ids[:, None], axis=1)[:, 0]
    ntiles = (counts + _TILE - 1) // _TILE
    csum = jnp.cumsum(ntiles)
    step_start = csum - ntiles
    expert_of_step = jnp.clip(
        jnp.searchsorted(csum, jnp.arange(G, dtype=jnp.int32), side="right"),
        0, E - 1).astype(jnp.int32)
    step_valid = (jnp.arange(G, dtype=jnp.int32)
                  < csum[-1]).astype(jnp.int32)
    pos = (step_start[ids] * _TILE + rank).astype(jnp.int32)
    gidx = (jnp.arange(B, dtype=jnp.int32) % T).at[pos].set(
        jnp.arange(T, dtype=jnp.int32))
    return expert_of_step, step_valid, pos, gidx, G, B


def _sc_gather2(x, xi, gidx, B, D):
    bpw = B // _NW
    nchunk = -(-bpw // 128)
    chunk = bpw // nchunk
    assert chunk * nchunk == bpw and chunk % 8 == 0
    ncol = D // 128
    cols = [t[:, c * 128:(c + 1) * 128] for t in (x, xi)
            for c in range(ncol)]
    nt = len(cols)
    mesh = plsc.VectorSubcoreMesh(core_axis_name="c", subcore_axis_name="s")
    col_shape = tuple(jax.ShapeDtypeStruct((B, 128), jnp.float32)
                      for _ in range(nt))

    @functools.partial(
        pl.kernel, mesh=mesh,
        out_type=col_shape,
        scratch_types=[pltpu.VMEM((chunk,), jnp.int32),
                       pltpu.VMEM((chunk,), jnp.int32),
                       pltpu.VMEM((chunk,), jnp.int32),
                       pltpu.VMEM((bpw, 128), jnp.float32),
                       pltpu.VMEM((bpw, 128), jnp.float32),
                       pltpu.SemaphoreType.DMA,
                       pltpu.SemaphoreType.DMA])
    def gk(*refs):
        srcs = refs[:nt]
        idx_hbm = refs[nt]
        outs = refs[nt + 1:2 * nt + 1]
        i0, i1, i2, rows_a, rows_b, gsem, wsem = refs[2 * nt + 1:]
        wid = lax.axis_index("s") * 2 + lax.axis_index("c")
        base = wid * bpw
        idxs = (i0, i1, i2)
        for j in range(nchunk):
            pltpu.sync_copy(
                idx_hbm.at[pl.ds((wid * nchunk + j) * chunk, chunk)],
                idxs[j])
        bufs = (rows_a, rows_b)
        wb = [None, None]
        for t in range(nt):
            buf = bufs[t % 2]
            if wb[t % 2] is not None:
                wb[t % 2].wait()
            copies = [
                pltpu.async_copy(srcs[t].at[idxs[j]],
                                 buf.at[pl.ds(j * chunk, chunk)], gsem)
                for j in range(nchunk)
            ]
            for cp in copies:
                cp.wait()
            wb[t % 2] = pltpu.async_copy(buf, outs[t].at[pl.ds(base, bpw)],
                                         wsem)
        wb[0].wait()
        wb[1].wait()

    return gk(*cols, gidx)


def _sc_unpermute(osort, pos, T):
    bpw = T // _NW
    idx2 = pos.reshape(_NW, bpw)
    mesh = plsc.VectorSubcoreMesh(core_axis_name="c", subcore_axis_name="s")

    @functools.partial(
        pl.kernel, mesh=mesh,
        out_type=jax.ShapeDtypeStruct((T, _OUTP), jnp.float32),
        scratch_types=[pltpu.VMEM((bpw,), jnp.int32),
                       pltpu.VMEM((bpw, _OUTP), jnp.float32),
                       pltpu.SemaphoreType.DMA])
    def uk(src_hbm, idx_hbm, out_hbm, idx_v, rows_v, sem):
        wid = lax.axis_index("s") * 2 + lax.axis_index("c")
        pltpu.sync_copy(idx_hbm.at[wid], idx_v)
        pltpu.async_copy(src_hbm.at[idx_v], rows_v, sem).wait()
        pltpu.sync_copy(rows_v, out_hbm.at[pl.ds(wid * bpw, bpw)])

    return uk(osort, idx2)


def _bdot(a, w):
    return jnp.dot(jnp.maximum(a, 0.0), w,
                   preferred_element_type=jnp.float32)


def _mlp_body(e_sref, v_sref, x0_ref, x1_ref, x2_ref, xi0_ref, xi1_ref,
              xi2_ref, Win_ref, bin_ref, Winit_ref, binit_ref,
              Wb_ref, bb_ref, Wout_ref, bout_ref, out_ref):
    g = pl.program_id(0)

    @pl.when(v_sref[g] == 1)
    def _compute():
        x = jnp.concatenate([x0_ref[...], x1_ref[...], x2_ref[...]], axis=1)
        xi = jnp.concatenate([xi0_ref[...], xi1_ref[...], xi2_ref[...]],
                             axis=1)
        a = _bdot(xi, Winit_ref[0]) + binit_ref[0]
        h = _bdot(x, Win_ref[0]) + bin_ref[0] + a
        for b in range(2):
            t = _bdot(h, Wb_ref[0, 2 * b]) + bb_ref[0, 2 * b]
            t = _bdot(t, Wb_ref[0, 2 * b + 1]) + bb_ref[0, 2 * b + 1]
            h = h + t
        o = _bdot(h, Wout_ref[0]) + bout_ref[0]
        ri = lax.broadcasted_iota(jnp.int32, (_OUTP, _OUTP), 0)
        ci = lax.broadcasted_iota(jnp.int32, (_OUTP, _OUTP), 1)
        pair = (ri // 2 == ci // 2).astype(jnp.float32)
        n = jnp.sqrt(jnp.dot(o * o, pair, preferred_element_type=jnp.float32))
        out_ref[...] = o / jnp.maximum(n, 1e-12)


def _tc_mlp(eos, val, xcols, W_in, bin2, W_init, binit2, Wb4, bb4, Woutp,
            boutp, G, B, C, CH):
    grid_spec = pltpu.PrefetchScalarGridSpec(
        num_scalar_prefetch=2,
        grid=(G,),
        in_specs=[
            pl.BlockSpec((_TILE, 128), lambda g, eref, vref: (g, 0)),
            pl.BlockSpec((_TILE, 128), lambda g, eref, vref: (g, 0)),
            pl.BlockSpec((_TILE, 128), lambda g, eref, vref: (g, 0)),
            pl.BlockSpec((_TILE, 128), lambda g, eref, vref: (g, 0)),
            pl.BlockSpec((_TILE, 128), lambda g, eref, vref: (g, 0)),
            pl.BlockSpec((_TILE, 128), lambda g, eref, vref: (g, 0)),
            pl.BlockSpec((1, C, CH), lambda g, eref, vref: (eref[g], 0, 0)),
            pl.BlockSpec((1, 1, CH), lambda g, eref, vref: (eref[g], 0, 0)),
            pl.BlockSpec((1, C, CH), lambda g, eref, vref: (eref[g], 0, 0)),
            pl.BlockSpec((1, 1, CH), lambda g, eref, vref: (eref[g], 0, 0)),
            pl.BlockSpec((1, 4, CH, CH), lambda g, eref, vref: (eref[g], 0, 0, 0)),
            pl.BlockSpec((1, 4, CH), lambda g, eref, vref: (eref[g], 0, 0)),
            pl.BlockSpec((1, CH, _OUTP), lambda g, eref, vref: (eref[g], 0, 0)),
            pl.BlockSpec((1, 1, _OUTP), lambda g, eref, vref: (eref[g], 0, 0)),
        ],
        out_specs=pl.BlockSpec((_TILE, _OUTP), lambda g, eref, vref: (g, 0)),
    )
    return pl.pallas_call(
        _mlp_body,
        grid_spec=grid_spec,
        out_shape=jax.ShapeDtypeStruct((B, _OUTP), jnp.float32),
        compiler_params=pltpu.CompilerParams(
            dimension_semantics=("arbitrary",)),
    )(eos, val, *xcols, W_in, bin2, W_init, binit2, Wb4, bb4, Woutp, boutp)


def kernel(aa_seqs, s, s_init, W_in, b_in, W_init, b_init, Wb, bb, W_out,
           b_out):
    bs, seq_len, C = s.shape
    T = bs * seq_len
    E, _, CH = W_in.shape

    ids = aa_seqs.reshape(T).astype(jnp.int32)
    sf = s.reshape(T, C)
    sif = s_init.reshape(T, C)

    eos, val, pos, gidx, G, B = _routing(ids, E, T)
    xcols = _sc_gather2(sf, sif, gidx, B, C)

    bin2 = b_in.reshape(E, 1, CH)
    binit2 = b_init.reshape(E, 1, CH)
    Wb4 = Wb.reshape(E, 4, CH, CH)
    bb4 = bb.reshape(E, 4, CH)
    Woutp = jnp.zeros((E, CH, _OUTP), W_out.dtype).at[:, :, :_OUT].set(W_out)
    boutp = jnp.zeros((E, 1, _OUTP), b_out.dtype).at[:, 0, :_OUT].set(b_out)

    osort = _tc_mlp(eos, val, xcols, W_in, bin2, W_init, binit2, Wb4, bb4,
                    Woutp, boutp, G, B, C, CH)
    outp = _sc_unpermute(osort, pos, T)
    return outp[:, :_OUT].reshape(bs, seq_len, _NA, 2)

# --- scband reference (transcript-rebuilt; emitter-appended) ---
"""Pipeline reference for scband-angle-heads-28733331210488 (READ-ONLY COPY).

The authoritative reference and input builder live on the scoring server;
editing this copy changes nothing except your own understanding.
"""

import jax, jax.numpy as jnp
import numpy as np

BS = 2
SEQ_LEN = 2048
C_S = 384
C_H = 384
NUM_BLOCKS = 2
NUM_ANGLES = 7
NUM_RESTYPES = 20


def setup_inputs(seed: int = 0) -> dict:
    key = jax.random.key(seed)
    ks = jax.random.split(key, 16)
    s = jax.random.normal(ks[0], (BS, SEQ_LEN, C_S), dtype=jnp.float32)
    s_init = jax.random.normal(ks[1], (BS, SEQ_LEN, C_S), dtype=jnp.float32)
    aa_seqs = jax.random.randint(ks[2], (BS, SEQ_LEN), 0, NUM_RESTYPES, dtype=jnp.int32)
    sc_s = 1.0 / np.sqrt(C_S)
    sc_h = 1.0 / np.sqrt(C_H)
    W_in = jax.random.normal(ks[3], (NUM_RESTYPES, C_S, C_H), dtype=jnp.float32) * sc_s
    b_in = jnp.zeros((NUM_RESTYPES, C_H), dtype=jnp.float32)
    W_init = jax.random.normal(ks[4], (NUM_RESTYPES, C_S, C_H), dtype=jnp.float32) * sc_s
    b_init = jnp.zeros((NUM_RESTYPES, C_H), dtype=jnp.float32)
    Wb = jax.random.normal(ks[5], (NUM_RESTYPES, NUM_BLOCKS, 2, C_H, C_H), dtype=jnp.float32) * sc_h
    bb = jnp.zeros((NUM_RESTYPES, NUM_BLOCKS, 2, C_H), dtype=jnp.float32)
    W_out = jax.random.normal(ks[6], (NUM_RESTYPES, C_H, NUM_ANGLES * 2), dtype=jnp.float32) * sc_h
    b_out = jnp.zeros((NUM_RESTYPES, NUM_ANGLES * 2), dtype=jnp.float32)
    return {"aa_seqs": aa_seqs, "s": s, "s_init": s_init, "W_in": W_in, "b_in": b_in,
            "W_init": W_init, "b_init": b_init, "Wb": Wb, "bb": bb,
            "W_out": W_out, "b_out": b_out}


def _angle_head(x, xi, W_in_e, b_in_e, W_init_e, b_init_e, Wb_e, bb_e, W_out_e, b_out_e):
    a = jax.nn.relu(xi) @ W_init_e + b_init_e
    h = jax.nn.relu(x) @ W_in_e + b_in_e
    h = h + a
    for b in range(NUM_BLOCKS):
        r = h
        t = jax.nn.relu(h) @ Wb_e[b, 0] + bb_e[b, 0]
        t = jax.nn.relu(t) @ Wb_e[b, 1] + bb_e[b, 1]
        h = r + t
    h = jax.nn.relu(h)
    o = h @ W_out_e + b_out_e
    return o.reshape(o.shape[0], NUM_ANGLES, 2)


def reference(aa_seqs, s, s_init, W_in, b_in, W_init, b_init, Wb, bb, W_out, b_out):
    bs, seq_len = s.shape[0], s.shape[1]
    T = bs * seq_len
    sf = s.reshape(T, -1)
    sif = s_init.reshape(T, -1)
    ids = aa_seqs.reshape(-1)
    # default angles (1, 0) for every token, per-restype expert overwrites
    angles = jnp.concatenate([
        jnp.ones((T, NUM_ANGLES, 1), dtype=s.dtype),
        jnp.zeros((T, NUM_ANGLES, 1), dtype=s.dtype)], axis=-1)
    for e in range(NUM_RESTYPES):
        out = _angle_head(sf, sif, W_in[e], b_in[e], W_init[e], b_init[e],
                          Wb[e], bb[e], W_out[e], b_out[e])
        mask = (ids == e)[:, None, None]
        angles = jnp.where(mask, out, angles)
    angles = angles.reshape(bs, seq_len, NUM_ANGLES, 2)
    n = jnp.linalg.norm(angles, axis=-1, keepdims=True)
    return angles / jnp.maximum(n, 1e-12)

if __name__ == "__main__":
    import jax
    _d = setup_inputs()
    print(jax.jit(kernel)(*tuple(_d.values())))

</pallas_src>

<mosaic_0001>
#map = affine_map<(d0, d1) -> (0, 0)>
module attributes {stable_mosaic.version = 14 : i64} {
  func.func @uk(%arg0: i32, %arg1: i32, %arg2: memref<9216x128xf32, #tpu.memory_space<hbm>>, %arg3: memref<32x128xi32, #tpu.memory_space<hbm>>, %arg4: memref<4096x128xf32, #tpu.memory_space<hbm>>, %arg5: memref<128xi32, #tpu.memory_space<vmem>>, %arg6: memref<128x128xf32, #tpu.memory_space<vmem>>, %arg7: memref<!tpu.dma_semaphore, #tpu.memory_space<semaphore_mem>>) attributes {dimension_semantics = [#tpu.dimension_semantics<core_parallel>, #tpu.dimension_semantics<subcore_parallel>], iteration_bounds = array<i64: 2, 16>, scalar_prefetch = 0 : i64, scratch_operands = 3 : i64, tpu.core_type = #tpu.core_type<sc_vector_subcore>, window_params = [{transform_indices = #map}, {transform_indices = #map}, {transform_indices = #map}]} {
    %mul3A = arith.constant 2 : i32
    %mul3A_0 = arith.muli %arg1, %mul3A : i32
    %add3A = arith.addi %mul3A_0, %arg0 : i32
    "tpu.region"() ({
      %run_scoped3A = tpu.sem_alloc : memref<!tpu.dma_semaphore, #tpu.memory_space<semaphore_mem>>
      %dma_start3A_7 = arith.constant 0 : i32
      %dma_start3A_8 = tpu.memref_slice %arg3[%add3A, %dma_start3A_7] : memref<32x128xi32, #tpu.memory_space<hbm>> -> memref<1x128xi32, #tpu.memory_space<hbm>>
      %dma_start3A_9 = tpu.memref_squeeze %dma_start3A_8 : memref<1x128xi32, #tpu.memory_space<hbm>> -> memref<128xi32, #tpu.memory_space<hbm>>
      %dma_start3A_10 = arith.constant 0 : i32
      %dma_start3A_11 = tpu.memref_slice %arg3[%add3A, %dma_start3A_10] : memref<32x128xi32, #tpu.memory_space<hbm>> -> memref<1x128xi32, #tpu.memory_space<hbm>>
      %dma_start3A_12 = tpu.memref_squeeze %dma_start3A_11 : memref<1x128xi32, #tpu.memory_space<hbm>> -> memref<128xi32, #tpu.memory_space<hbm>>
      tpu.enqueue_dma source(%dma_start3A_12 : memref<128xi32, #tpu.memory_space<hbm>>) target(%arg5 : memref<128xi32, #tpu.memory_space<vmem>>) target_semaphore(%run_scoped3A : memref<!tpu.dma_semaphore, #tpu.memory_space<semaphore_mem>>)
      %dma_wait3A_13 = arith.constant 0 : i32
      %dma_wait3A_14 = tpu.memref_slice %arg3[%add3A, %dma_wait3A_13] : memref<32x128xi32, #tpu.memory_space<hbm>> -> memref<1x128xi32, #tpu.memory_space<hbm>>
      %dma_wait3A_15 = tpu.memref_squeeze %dma_wait3A_14 : memref<1x128xi32, #tpu.memory_space<hbm>> -> memref<128xi32, #tpu.memory_space<hbm>>
      %dma_wait3A_16 = arith.constant 0 : i32
      %dma_wait3A_17 = tpu.memref_slice %arg3[%add3A, %dma_wait3A_16] : memref<32x128xi32, #tpu.memory_space<hbm>> -> memref<1x128xi32, #tpu.memory_space<hbm>>
      %dma_wait3A_18 = tpu.memref_squeeze %dma_wait3A_17 : memref<1x128xi32, #tpu.memory_space<hbm>> -> memref<128xi32, #tpu.memory_space<hbm>>
      tpu.wait_dma2 semaphore(%run_scoped3A : memref<!tpu.dma_semaphore, #tpu.memory_space<semaphore_mem>>) src(%dma_wait3A_18 : memref<128xi32, #tpu.memory_space<hbm>>) dst(%arg5 : memref<128xi32, #tpu.memory_space<vmem>>)
      tpu.yield
    }) : () -> ()
    %dma_start3A = arith.constant 0 : i32
    %dma_start3A_1 = arith.constant 0 : i32
    %dma_start3A_2 = tpu.memref_slice %arg2[%dma_start3A, %dma_start3A_1] : memref<9216x128xf32, #tpu.memory_space<hbm>> -> memref<9216x128xf32, #tpu.memory_space<hbm>>
    tpu.enqueue_indirect_dma source(%dma_start3A_2 : memref<9216x128xf32, #tpu.memory_space<hbm>>) target(%arg6 : memref<128x128xf32, #tpu.memory_space<vmem>>) offsets(%arg5 : memref<128xi32, #tpu.memory_space<vmem>>) semaphore(%arg7 : memref<!tpu.dma_semaphore, #tpu.memory_space<semaphore_mem>>)
    %dma_wait3A = arith.constant 0 : i32
    %dma_wait3A_3 = arith.constant 0 : i32
    %dma_wait3A_4 = tpu.memref_slice %arg2[%dma_wait3A, %dma_wait3A_3] : memref<9216x128xf32, #tpu.memory_space<hbm>> -> memref<9216x128xf32, #tpu.memory_space<hbm>>
    tpu.wait_indirect_dma semaphore(%arg7 : memref<!tpu.dma_semaphore, #tpu.memory_space<semaphore_mem>>) src(%dma_wait3A_4 : memref<9216x128xf32, #tpu.memory_space<hbm>>) dst(%arg6 : memref<128x128xf32, #tpu.memory_space<vmem>>)
    %mul3A_5 = arith.constant 128 : i32
    %mul3A_6 = arith.muli %add3A, %mul3A_5 : i32
    "tpu.region"() ({
      %run_scoped3A = tpu.sem_alloc : memref<!tpu.dma_semaphore, #tpu.memory_space<semaphore_mem>>
      %dma_start3A_7 = arith.constant 0 : i32
      %dma_start3A_8 = tpu.memref_slice %arg4[%mul3A_6, %dma_start3A_7] : memref<4096x128xf32, #tpu.memory_space<hbm>> -> memref<128x128xf32, #tpu.memory_space<hbm>>
      %dma_start3A_9 = arith.constant 0 : i32
      %dma_start3A_10 = tpu.memref_slice %arg4[%mul3A_6, %dma_start3A_9] : memref<4096x128xf32, #tpu.memory_space<hbm>> -> memref<128x128xf32, #tpu.memory_space<hbm>>
      tpu.enqueue_dma source(%arg6 : memref<128x128xf32, #tpu.memory_space<vmem>>) target(%dma_start3A_10 : memref<128x128xf32, #tpu.memory_space<hbm>>) target_semaphore(%run_scoped3A : memref<!tpu.dma_semaphore, #tpu.memory_space<semaphore_mem>>)
      %dma_wait3A_11 = arith.constant 0 : i32
      %dma_wait3A_12 = tpu.memref_slice %arg4[%mul3A_6, %dma_wait3A_11] : memref<4096x128xf32, #tpu.memory_space<hbm>> -> memref<128x128xf32, #tpu.memory_space<hbm>>
      %dma_wait3A_13 = arith.constant 0 : i32
      %dma_wait3A_14 = tpu.memref_slice %arg4[%mul3A_6, %dma_wait3A_13] : memref<4096x128xf32, #tpu.memory_space<hbm>> -> memref<128x128xf32, #tpu.memory_space<hbm>>
      tpu.wait_dma2 semaphore(%run_scoped3A : memref<!tpu.dma_semaphore, #tpu.memory_space<semaphore_mem>>) src(%arg6 : memref<128x128xf32, #tpu.memory_space<vmem>>) dst(%dma_wait3A_14 : memref<128x128xf32, #tpu.memory_space<hbm>>)
      tpu.yield
    }) : () -> ()
    return
  }
}

#map = affine_map<(d0, d1) -> (0, 0)>
#map1 = affine_map<(d0, d1) -> (0)>
module attributes {stable_mosaic.version = 14 : i64} {
  func.func @gk(%arg0: i32, %arg1: i32, %arg2: memref<4096x128xf32, #tpu.memory_space<hbm>>, %arg3: memref<4096x128xf32, #tpu.memory_space<hbm>>, %arg4: memref<4096x128xf32, #tpu.memory_space<hbm>>, %arg5: memref<4096x128xf32, #tpu.memory_space<hbm>>, %arg6: memref<4096x128xf32, #tpu.memory_space<hbm>>, %arg7: memref<4096x128xf32, #tpu.memory_space<hbm>>, %arg8: memref<9216xi32, #tpu.memory_space<hbm>>, %arg9: memref<9216x128xf32, #tpu.memory_space<hbm>>, %arg10: memref<9216x128xf32, #tpu.memory_space<hbm>>, %arg11: memref<9216x128xf32, #tpu.memory_space<hbm>>, %arg12: memref<9216x128xf32, #tpu.memory_space<hbm>>, %arg13: memref<9216x128xf32, #tpu.memory_space<hbm>>, %arg14: memref<9216x128xf32, #tpu.memory_space<hbm>>, %arg15: memref<96xi32, #tpu.memory_space<vmem>>, %arg16: memref<96xi32, #tpu.memory_space<vmem>>, %arg17: memref<96xi32, #tpu.memory_space<vmem>>, %arg18: memref<288x128xf32, #tpu.memory_space<vmem>>, %arg19: memref<288x128xf32, #tpu.memory_space<vmem>>, %arg20: memref<!tpu.dma_semaphore, #tpu.memory_space<semaphore_mem>>, %arg21: memref<!tpu.dma_semaphore, #tpu.memory_space<semaphore_mem>>) attributes {dimension_semantics = [#tpu.dimension_semantics<core_parallel>, #tpu.dimension_semantics<subcore_parallel>], iteration_bounds = array<i64: 2, 16>, scalar_prefetch = 0 : i64, scratch_operands = 7 : i64, tpu.core_type = #tpu.core_type<sc_vector_subcore>, window_params = [{transform_indices = #map}, {transform_indices = #map}, {transform_indices = #map}, {transform_indices = #map}, {transform_indices = #map}, {transform_indices = #map}, {transform_indices = #map1}, {transform_indices = #map}, {transform_indices = #map}, {transform_indices = #map}, {transform_indices = #map}, {transform_indices = #map}, {transform_indices = #map}]} {
    %mul3A = arith.constant 2 : i32
    %mul3A_0 = arith.muli %arg1, %mul3A : i32
    %add3A = arith.addi %mul3A_0, %arg0 : i32
    %mul3A_1 = arith.constant 288 : i32
    %mul3A_2 = arith.muli %add3A, %mul3A_1 : i32
    %mul3A_3 = arith.constant 3 : i32
    %mul3A_4 = arith.muli %add3A, %mul3A_3 : i32
    %add3A_5 = arith.constant 0 : i32
    %add3A_6 = arith.addi %mul3A_4, %add3A_5 : i32
    %mul3A_7 = arith.constant 96 : i32
    %mul3A_8 = arith.muli %add3A_6, %mul3A_7 : i32
    "tpu.region"() ({
      %run_scoped3A = tpu.sem_alloc : memref<!tpu.dma_semaphore, #tpu.memory_space<semaphore_mem>>
      %dma_start3A_283 = tpu.memref_slice %arg8[%mul3A_8] : memref<9216xi32, #tpu.memory_space<hbm>> -> memref<96xi32, #tpu.memory_space<hbm>>
      %dma_start3A_284 = tpu.memref_slice %arg8[%mul3A_8] : memref<9216xi32, #tpu.memory_space<hbm>> -> memref<96xi32, #tpu.memory_space<hbm>>
      tpu.enqueue_dma source(%dma_start3A_284 : memref<96xi32, #tpu.memory_space<hbm>>) target(%arg15 : memref<96xi32, #tpu.memory_space<vmem>>) target_semaphore(%run_scoped3A : memref<!tpu.dma_semaphore, #tpu.memory_space<semaphore_mem>>)
      %dma_wait3A_285 = tpu.memref_slice %arg8[%mul3A_8] : memref<9216xi32, #tpu.memory_space<hbm>> -> memref<96xi32, #tpu.memory_space<hbm>>
      %dma_wait3A_286 = tpu.memref_slice %arg8[%mul3A_8] : memref<9216xi32, #tpu.memory_space<hbm>> -> memref<96xi32, #tpu.memory_space<hbm>>
      tpu.wait_dma2 semaphore(%run_scoped3A : memref<!tpu.dma_semaphore, #tpu.memory_space<semaphore_mem>>) src(%dma_wait3A_286 : memref<96xi32, #tpu.memory_space<hbm>>) dst(%arg15 : memref<96xi32, #tpu.memory_space<vmem>>)
      tpu.yield
    }) : () -> ()
    %mul3A_9 = arith.constant 3 : i32
    %mul3A_10 = arith.muli %add3A, %mul3A_9 : i32
    %add3A_11 = arith.constant 1 : i32
    %add3A_12 = arith.addi %mul3A_10, %add3A_11 : i32
    %mul3A_13 = arith.constant 96 : i32
    %mul3A_14 = arith.muli %add3A_12, %mul3A_13 : i32
    "tpu.region"() ({
      %run_scoped3A = tpu.sem_alloc : memref<!tpu.dma_semaphore, #tpu.memory_space<semaphore_mem>>
      %dma_start3A_283 = tpu.memref_slice %arg8[%mul3A_14] : memref<9216xi32, #tpu.memory_space<hbm>> -> memref<96xi32, #tpu.memory_space<hbm>>
      %dma_start3A_284 = tpu.memref_slice %arg8[%mul3A_14] : memref<9216xi32, #tpu.memory_space<hbm>> -> memref<96xi32, #tpu.memory_space<hbm>>
      tpu.enqueue_dma source(%dma_start3A_284 : memref<96xi32, #tpu.memory_space<hbm>>) target(%arg16 : memref<96xi32, #tpu.memory_space<vmem>>) target_semaphore(%run_scoped3A : memref<!tpu.dma_semaphore, #tpu.memory_space<semaphore_mem>>)
      %dma_wait3A_285 = tpu.memref_slice %arg8[%mul3A_14] : memref<9216xi32, #tpu.memory_space<hbm>> -> memref<96xi32, #tpu.memory_space<hbm>>
      %dma_wait3A_286 = tpu.memref_slice %arg8[%mul3A_14] : memref<9216xi32, #tpu.memory_space<hbm>> -> memref<96xi32, #tpu.memory_space<hbm>>
      tpu.wait_dma2 semaphore(%run_scoped3A : memref<!tpu.dma_semaphore, #tpu.memory_space<semaphore_mem>>) src(%dma_wait3A_286 : memref<96xi32, #tpu.memory_space<hbm>>) dst(%arg16 : memref<96xi32, #tpu.memory_space<vmem>>)
      tpu.yield
    }) : () -> ()
    %mul3A_15 = arith.constant 3 : i32
    %mul3A_16 = arith.muli %add3A, %mul3A_15 : i32
    %add3A_17 = arith.constant 2 : i32
    %add3A_18 = arith.addi %mul3A_16, %add3A_17 : i32
    %mul3A_19 = arith.constant 96 : i32
    %mul3A_20 = arith.muli %add3A_18, %mul3A_19 : i32
    "tpu.region"() ({
      %run_scoped3A = tpu.sem_alloc : memref<!tpu.dma_semaphore, #tpu.memory_space<semaphore_mem>>
      %dma_start3A_283 = tpu.memref_slice %arg8[%mul3A_20] : memref<9216xi32, #tpu.memory_space<hbm>> -> memref<96xi32, #tpu.memory_space<hbm>>
      %dma_start3A_284 = tpu.memref_slice %arg8[%mul3A_20] : memref<9216xi32, #tpu.memory_space<hbm>> -> memref<96xi32, #tpu.memory_space<hbm>>
      tpu.enqueue_dma source(%dma_start3A_284 : memref<96xi32, #tpu.memory_space<hbm>>) target(%arg17 : memref<96xi32, #tpu.memory_space<vmem>>) target_semaphore(%run_scoped3A : memref<!tpu.dma_semaphore, #tpu.memory_space<semaphore_mem>>)
      %dma_wait3A_285 = tpu.memref_slice %arg8[%mul3A_20] : memref<9216xi32, #tpu.memory_space<hbm>> -> memref<96xi32, #tpu.memory_space<hbm>>
      %dma_wait3A_286 = tpu.memref_slice %arg8[%mul3A_20] : memref<9216xi32, #tpu.memory_space<hbm>> -> memref<96xi32, #tpu.memory_space<hbm>>
      tpu.wait_dma2 semaphore(%run_scoped3A : memref<!tpu.dma_semaphore, #tpu.memory_space<semaphore_mem>>) src(%dma_wait3A_286 : memref<96xi32, #tpu.memory_space<hbm>>) dst(%arg17 : memref<96xi32, #tpu.memory_space<vmem>>)
      tpu.yield
    }) : () -> ()
    %dma_start3A = arith.constant 0 : i32
    %dma_start3A_21 = arith.constant 0 : i32
    %dma_start3A_22 = tpu.memref_slice %arg18[%dma_start3A, %dma_start3A_21] : memref<288x128xf32, #tpu.memory_space<vmem>> -> memref<96x128xf32, #tpu.memory_space<vmem>>
    %dma_start3A_23 = arith.constant 0 : i32
    %dma_start3A_24 = arith.constant 0 : i32
    %dma_start3A_25 = tpu.memref_slice %arg2[%dma_start3A_23, %dma_start3A_24] : memref<4096x128xf32, #tpu.memory_space<hbm>> -> memref<4096x128xf32, #tpu.memory_space<hbm>>
    tpu.enqueue_indirect_dma source(%dma_start3A_25 : memref<4096x128xf32, #tpu.memory_space<hbm>>) target(%dma_start3A_22 : memref<96x128xf32, #tpu.memory_space<vmem>>) offsets(%arg15 : memref<96xi32, #tpu.memory_space<vmem>>) semaphore(%arg20 : memref<!tpu.dma_semaphore, #tpu.memory_space<semaphore_mem>>)
    %dma_start3A_26 = arith.constant 96 : i32
    %dma_start3A_27 = arith.constant 0 : i32
    %dma_start3A_28 = tpu.memref_slice %arg18[%dma_start3A_26, %dma_start3A_27] : memref<288x128xf32, #tpu.memory_space<vmem>> -> memref<96x128xf32, #tpu.memory_space<vmem>>
    %dma_start3A_29 = arith.constant 0 : i32
    %dma_start3A_30 = arith.constant 0 : i32
    %dma_start3A_31 = tpu.memref_slice %arg2[%dma_start3A_29, %dma_start3A_30] : memref<4096x128xf32, #tpu.memory_space<hbm>> -> memref<4096x128xf32, #tpu.memory_space<hbm>>
    tpu.enqueue_indirect_dma source(%dma_start3A_31 : memref<4096x128xf32, #tpu.memory_space<hbm>>) target(%dma_start3A_28 : memref<96x128xf32, #tpu.memory_space<vmem>>) offsets(%arg16 : memref<96xi32, #tpu.memory_space<vmem>>) semaphore(%arg20 : memref<!tpu.dma_semaphore, #tpu.memory_space<semaphore_mem>>)
    %dma_start3A_32 = arith.constant 192 : i32
    %dma_start3A_33 = arith.constant 0 : i32
    %dma_start3A_34 = tpu.memref_slice %arg18[%dma_start3A_32, %dma_start3A_33] : memref<288x128xf32, #tpu.memory_space<vmem>> -> memref<96x128xf32, #tpu.memory_space<vmem>>
    %dma_start3A_35 = arith.constant 0 : i32
    %dma_start3A_36 = arith.constant 0 : i32
    %dma_start3A_37 = tpu.memref_slice %arg2[%dma_start3A_35, %dma_start3A_36] : memref<4096x128xf32, #tpu.memory_space<hbm>> -> memref<4096x128xf32, #tpu.memory_space<hbm>>
    tpu.enqueue_indirect_dma source(%dma_start3A_37 : memref<4096x128xf32, #tpu.memory_space<hbm>>) target(%dma_start3A_34 : memref<96x128xf32, #tpu.memory_space<vmem>>) offsets(%arg17 : memref<96xi32, #tpu.memory_space<vmem>>) semaphore(%arg20 : memref<!tpu.dma_semaphore, #tpu.memory_space<semaphore_mem>>)
    %dma_wait3A = arith.constant 0 : i32
    %dma_wait3A_38 = arith.constant 0 : i32
    %dma_wait3A_39 = tpu.memref_slice %arg18[%dma_wait3A, %dma_wait3A_38] : memref<288x128xf32, #tpu.memory_space<vmem>> -> memref<96x128xf32, #tpu.memory_space<vmem>>
    %dma_wait3A_40 = arith.constant 0 : i32
    %dma_wait3A_41 = arith.constant 0 : i32
    %dma_wait3A_42 = tpu.memref_slice %arg2[%dma_wait3A_40, %dma_wait3A_41] : memref<4096x128xf32, #tpu.memory_space<hbm>> -> memref<4096x128xf32, #tpu.memory_space<hbm>>
    tpu.wait_indirect_dma semaphore(%arg20 : memref<!tpu.dma_semaphore, #tpu.memory_space<semaphore_mem>>) src(%dma_wait3A_42 : memref<4096x128xf32, #tpu.memory_space<hbm>>) dst(%dma_wait3A_39 : memref<96x128xf32, #tpu.memory_space<vmem>>)
    %dma_wait3A_43 = arith.constant 96 : i32
    %dma_wait3A_44 = arith.constant 0 : i32
    %dma_wait3A_45 = tpu.memref_slice %arg18[%dma_wait3A_43, %dma_wait3A_44] : memref<288x128xf32, #tpu.memory_space<vmem>> -> memref<96x128xf32, #tpu.memory_space<vmem>>
    %dma_wait3A_46 = arith.constant 0 : i32
    %dma_wait3A_47 = arith.constant 0 : i32
    %dma_wait3A_48 = tpu.memref_slice %arg2[%dma_wait3A_46, %dma_wait3A_47] : memref<4096x128xf32, #tpu.memory_space<hbm>> -> memref<4096x128xf32, #tpu.memory_space<hbm>>
    tpu.wait_indirect_dma semaphore(%arg20 : memref<!tpu.dma_semaphore, #tpu.memory_space<semaphore_mem>>) src(%dma_wait3A_48 : memref<4096x128xf32, #tpu.memory_space<hbm>>) dst(%dma_wait3A_45 : memref<96x128xf32, #tpu.memory_space<vmem>>)
    %dma_wait3A_49 = arith.constant 192 : i32
    %dma_wait3A_50 = arith.constant 0 : i32
    %dma_wait3A_51 = tpu.memref_slice %arg18[%dma_wait3A_49, %dma_wait3A_50] : memref<288x128xf32, #tpu.memory_space<vmem>> -> memref<96x128xf32, #tpu.memory_space<vmem>>
    %dma_wait3A_52 = arith.constant 0 : i32
    %dma_wait3A_53 = arith.constant 0 : i32
    %dma_wait3A_54 = tpu.memref_slice %arg2[%dma_wait3A_52, %dma_wait3A_53] : memref<4096x128xf32, #tpu.memory_space<hbm>> -> memref<4096x128xf32, #tpu.memory_space<hbm>>
    tpu.wait_indirect_dma semaphore(%arg20 : memref<!tpu.dma_semaphore, #tpu.memory_space<semaphore_mem>>) src(%dma_wait3A_54 : memref<4096x128xf32, #tpu.memory_space<hbm>>) dst(%dma_wait3A_51 : memref<96x128xf32, #tpu.memory_space<vmem>>)
    %dma_start3A_55 = arith.constant 0 : i32
    %dma_start3A_56 = tpu.memref_slice %arg9[%mul3A_2, %dma_start3A_55] : memref<9216x128xf32, #tpu.memory_space<hbm>> -> memref<288x128xf32, #tpu.memory_space<hbm>>
    %dma_start3A_57 = arith.constant 0 : i32
    %dma_start3A_58 = tpu.memref_slice %arg9[%mul3A_2, %dma_start3A_57] : memref<9216x128xf32, #tpu.memory_space<hbm>> -> memref<288x128xf32, #tpu.memory_space<hbm>>
    tpu.enqueue_dma source(%arg18 : memref<288x128xf32, #tpu.memory_space<vmem>>) target(%dma_start3A_58 : memref<288x128xf32, #tpu.memory_space<hbm>>) target_semaphore(%arg21 : memref<!tpu.dma_semaphore, #tpu.memory_space<semaphore_mem>>)
    %dma_start3A_59 = arith.constant 0 : i32
    %dma_start3A_60 = arith.constant 0 : i32
    %dma_start3A_61 = tpu.memref_slice %arg19[%dma_start3A_59, %dma_start3A_60] : memref<288x128xf32, #tpu.memory_space<vmem>> -> memref<96x128xf32, #tpu.memory_space<vmem>>
    %dma_start3A_62 = arith.constant 0 : i32
    %dma_start3A_63 = arith.constant 0 : i32
    %dma_start3A_64 = tpu.memref_slice %arg3[%dma_start3A_62, %dma_start3A_63] : memref<4096x128xf32, #tpu.memory_space<hbm>> -> memref<4096x128xf32, #tpu.memory_space<hbm>>
    tpu.enqueue_indirect_dma source(%dma_start3A_64 : memref<4096x128xf32, #tpu.memory_space<hbm>>) target(%dma_start3A_61 : memref<96x128xf32, #tpu.memory_space<vmem>>) offsets(%arg15 : memref<96xi32, #tpu.memory_space<vmem>>) semaphore(%arg20 : memref<!tpu.dma_semaphore, #tpu.memory_space<semaphore_mem>>)
    %dma_start3A_65 = arith.constant 96 : i32
    %dma_start3A_66 = arith.constant 0 : i32
    %dma_start3A_67 = tpu.memref_slice %arg19[%dma_start3A_65, %dma_start3A_66] : memref<288x128xf32, #tpu.memory_space<vmem>> -> memref<96x128xf32, #tpu.memory_space<vmem>>
    %dma_start3A_68 = arith.constant 0 : i32
    %dma_start3A_69 = arith.constant 0 : i32
    %dma_start3A_70 = tpu.memref_slice %arg3[%dma_start3A_68, %dma_start3A_69] : memref<4096x128xf32, #tpu.memory_space<hbm>> -> memref<4096x128xf32, #tpu.memory_space<hbm>>
    tpu.enqueue_indirect_dma source(%dma_start3A_70 : memref<4096x128xf32, #tpu.memory_space<hbm>>) target(%dma_start3A_67 : memref<96x128xf32, #tpu.memory_space<vmem>>) offsets(%arg16 : memref<96xi32, #tpu.memory_space<vmem>>) semaphore(%arg20 : memref<!tpu.dma_semaphore, #tpu.memory_space<semaphore_mem>>)
    %dma_start3A_71 = arith.constant 192 : i32
    %dma_start3A_72 = arith.constant 0 : i32
    %dma_start3A_73 = tpu.memref_slice %arg19[%dma_start3A_71, %dma_start3A_72] : memref<288x128xf32, #tpu.memory_space<vmem>> -> memref<96x128xf32, #tpu.memory_space<vmem>>
    %dma_start3A_74 = arith.constant 0 : i32
    %dma_start3A_75 = arith.constant 0 : i32
    %dma_start3A_76 = tpu.memref_slice %arg3[%dma_start3A_74, %dma_start3A_75] : memref<4096x128xf32, #tpu.memory_space<hbm>> -> memref<4096x128xf32, #tpu.memory_space<hbm>>
    tpu.enqueue_indirect_dma source(%dma_start3A_76 : memref<4096x128xf32, #tpu.memory_space<hbm>>) target(%dma_start3A_73 : memref<96x128xf32, #tpu.memory_space<vmem>>) offsets(%arg17 : memref<96xi32, #tpu.memory_space<vmem>>) semaphore(%arg20 : memref<!tpu.dma_semaphore, #tpu.memory_space<semaphore_mem>>)
    %dma_wait3A_77 = arith.constant 0 : i32
    %dma_wait3A_78 = arith.constant 0 : i32
    %dma_wait3A_79 = tpu.memref_slice %arg19[%dma_wait3A_77, %dma_wait3A_78] : memref<288x128xf32, #tpu.memory_space<vmem>> -> memref<96x128xf32, #tpu.memory_space<vmem>>
    %dma_wait3A_80 = arith.constant 0 : i32
    %dma_wait3A_81 = arith.constant 0 : i32
    %dma_wait3A_82 = tpu.memref_slice %arg3[%dma_wait3A_80, %dma_wait3A_81] : memref<4096x128xf32, #tpu.memory_space<hbm>> -> memref<4096x128xf32, #tpu.memory_space<hbm>>
    tpu.wait_indirect_dma semaphore(%arg20 : memref<!tpu.dma_semaphore, #tpu.memory_space<semaphore_mem>>) src(%dma_wait3A_82 : memref<4096x128xf32, #tpu.memory_space<hbm>>) dst(%dma_wait3A_79 : memref<96x128xf32, #tpu.memory_space<vmem>>)
    %dma_wait3A_83 = arith.constant 96 : i32
    %dma_wait3A_84 = arith.constant 0 : i32
    %dma_wait3A_85 = tpu.memref_slice %arg19[%dma_wait3A_83, %dma_wait3A_84] : memref<288x128xf32, #tpu.memory_space<vmem>> -> memref<96x128xf32, #tpu.memory_space<vmem>>
    %dma_wait3A_86 = arith.constant 0 : i32
    %dma_wait3A_87 = arith.constant 0 : i32
    %dma_wait3A_88 = tpu.memref_slice %arg3[%dma_wait3A_86, %dma_wait3A_87] : memref<4096x128xf32, #tpu.memory_space<hbm>> -> memref<4096x128xf32, #tpu.memory_space<hbm>>
    tpu.wait_indirect_dma semaphore(%arg20 : memref<!tpu.dma_semaphore, #tpu.memory_space<semaphore_mem>>) src(%dma_wait3A_88 : memref<4096x128xf32, #tpu.memory_space<hbm>>) dst(%dma_wait3A_85 : memref<96x128xf32, #tpu.memory_space<vmem>>)
    %dma_wait3A_89 = arith.constant 192 : i32
    %dma_wait3A_90 = arith.constant 0 : i32
    %dma_wait3A_91 = tpu.memref_slice %arg19[%dma_wait3A_89, %dma_wait3A_90] : memref<288x128xf32, #tpu.memory_space<vmem>> -> memref<96x128xf32, #tpu.memory_space<vmem>>
    %dma_wait3A_92 = arith.constant 0 : i32
    %dma_wait3A_93 = arith.constant 0 : i32
    %dma_wait3A_94 = tpu.memref_slice %arg3[%dma_wait3A_92, %dma_wait3A_93] : memref<4096x128xf32, #tpu.memory_space<hbm>> -> memref<4096x128xf32, #tpu.memory_space<hbm>>
    tpu.wait_indirect_dma semaphore(%arg20 : memref<!tpu.dma_semaphore, #tpu.memory_space<semaphore_mem>>) src(%dma_wait3A_94 : memref<4096x128xf32, #tpu.memory_space<hbm>>) dst(%dma_wait3A_91 : memref<96x128xf32, #tpu.memory_space<vmem>>)
    %dma_start3A_95 = arith.constant 0 : i32
    %dma_start3A_96 = tpu.memref_slice %arg10[%mul3A_2, %dma_start3A_95] : memref<9216x128xf32, #tpu.memory_space<hbm>> -> memref<288x128xf32, #tpu.memory_space<hbm>>
    %dma_start3A_97 = arith.constant 0 : i32
    %dma_start3A_98 = tpu.memref_slice %arg10[%mul3A_2, %dma_start3A_97] : memref<9216x128xf32, #tpu.memory_space<hbm>> -> memref<288x128xf32, #tpu.memory_space<hbm>>
    tpu.enqueue_dma source(%arg19 : memref<288x128xf32, #tpu.memory_space<vmem>>) target(%dma_start3A_98 : memref<288x128xf32, #tpu.memory_space<hbm>>) target_semaphore(%arg21 : memref<!tpu.dma_semaphore, #tpu.memory_space<semaphore_mem>>)
    %dma_wait3A_99 = arith.constant 0 : i32
    %dma_wait3A_100 = tpu.memref_slice %arg9[%mul3A_2, %dma_wait3A_99] : memref<9216x128xf32, #tpu.memory_space<hbm>> -> memref<288x128xf32, #tpu.memory_space<hbm>>
    %dma_wait3A_101 = arith.constant 0 : i32
    %dma_wait3A_102 = tpu.memref_slice %arg9[%mul3A_2, %dma_wait3A_101] : memref<9216x128xf32, #tpu.memory_space<hbm>> -> memref<288x128xf32, #tpu.memory_space<hbm>>
    tpu.wait_dma2 semaphore(%arg21 : memref<!tpu.dma_semaphore, #tpu.memory_space<semaphore_mem>>) src(%arg18 : memref<288x128xf32, #tpu.memory_space<vmem>>) dst(%dma_wait3A_102 : memref<288x128xf32, #tpu.memory_space<hbm>>)
    %dma_start3A_103 = arith.constant 0 : i32
    %dma_start3A_104 = arith.constant 0 : i32
    %dma_start3A_105 = tpu.memref_slice %arg18[%dma_start3A_103, %dma_start3A_104] : memref<288x128xf32, #tpu.memory_space<vmem>> -> memref<96x128xf32, #tpu.memory_space<vmem>>
    %dma_start3A_106 = arith.constant 0 : i32
    %dma_start3A_107 = arith.constant 0 : i32
    %dma_start3A_108 = tpu.memref_slice %arg4[%dma_start3A_106, %dma_start3A_107] : memref<4096x128xf32, #tpu.memory_space<hbm>> -> memref<4096x128xf32, #tpu.memory_space<hbm>>
    tpu.enqueue_indirect_dma source(%dma_start3A_108 : memref<4096x128xf32, #tpu.memory_space<hbm>>) target(%dma_start3A_105 : memref<96x128xf32, #tpu.memory_space<vmem>>) offsets(%arg15 : memref<96xi32, #tpu.memory_space<vmem>>) semaphore(%arg20 : memref<!tpu.dma_semaphore, #tpu.memory_space<semaphore_mem>>)
    %dma_start3A_109 = arith.constant 96 : i32
    %dma_start3A_110 = arith.constant 0 : i32
    %dma_start3A_111 = tpu.memref_slice %arg18[%dma_start3A_109, %dma_start3A_110] : memref<288x128xf32, #tpu.memory_space<vmem>> -> memref<96x128xf32, #tpu.memory_space<vmem>>
    %dma_start3A_112 = arith.constant 0 : i32
    %dma_start3A_113 = arith.constant 0 : i32
    %dma_start3A_114 = tpu.memref_slice %arg4[%dma_start3A_112, %dma_start3A_113] : memref<4096x128xf32, #tpu.memory_space<hbm>> -> memref<4096x128xf32, #tpu.memory_space<hbm>>
    tpu.enqueue_indirect_dma source(%dma_start3A_114 : memref<4096x128xf32, #tpu.memory_space<hbm>>) target(%dma_start3A_111 : memref<96x128xf32, #tpu.memory_space<vmem>>) offsets(%arg16 : memref<96xi32, #tpu.memory_space<vmem>>) semaphore(%arg20 : memref<!tpu.dma_semaphore, #tpu.memory_space<semaphore_mem>>)
    %dma_start3A_115 = arith.constant 192 : i32
    %dma_start3A_116 = arith.constant 0 : i32
    %dma_start3A_117 = tpu.memref_slice %arg18[%dma_start3A_115, %dma_start3A_116] : memref<288x128xf32, #tpu.memory_space<vmem>> -> memref<96x128xf32, #tpu.memory_space<vmem>>
    %dma_start3A_118 = arith.constant 0 : i32
    %dma_start3A_119 = arith.constant 0 : i32
    %dma_start3A_120 = tpu.memref_slice %arg4[%dma_start3A_118, %dma_start3A_119] : memref<4096x128xf32, #tpu.memory_space<hbm>> -> memref<4096x128xf32, #tpu.memory_space<hbm>>
    tpu.enqueue_indirect_dma source(%dma_start3A_120 : memref<4096x128xf32, #tpu.memory_space<hbm>>) target(%dma_start3A_117 : memref<96x128xf32, #tpu.memory_space<vmem>>) offsets(%arg17 : memref<96xi32, #tpu.memory_space<vmem>>) semaphore(%arg20 : memref<!tpu.dma_semaphore, #tpu.memory_space<semaphore_mem>>)
    %dma_wait3A_121 = arith.constant 0 : i32
    %dma_wait3A_122 = arith.constant 0 : i32
    %dma_wait3A_123 = tpu.memref_slice %arg18[%dma_wait3A_121, %dma_wait3A_122] : memref<288x128xf32, #tpu.memory_space<vmem>> -> memref<96x128xf32, #tpu.memory_space<vmem>>
    %dma_wait3A_124 = arith.constant 0 : i32
    %dma_wait3A_125 = arith.constant 0 : i32
    %dma_wait3A_126 = tpu.memref_slice %arg4[%dma_wait3A_124, %dma_wait3A_125] : memref<4096x128xf32, #tpu.memory_space<hbm>> -> memref<4096x128xf32, #tpu.memory_space<hbm>>
    tpu.wait_indirect_dma semaphore(%arg20 : memref<!tpu.dma_semaphore, #tpu.memory_space<semaphore_mem>>) src(%dma_wait3A_126 : memref<4096x128xf32, #tpu.memory_space<hbm>>) dst(%dma_wait3A_123 : memref<96x128xf32, #tpu.memory_space<vmem>>)
    %dma_wait3A_127 = arith.constant 96 : i32
    %dma_wait3A_128 = arith.constant 0 : i32
    %dma_wait3A_129 = tpu.memref_slice %arg18[%dma_wait3A_127, %dma_wait3A_128] : memref<288x128xf32, #tpu.memory_space<vmem>> -> memref<96x128xf32, #tpu.memory_space<vmem>>
    %dma_wait3A_130 = arith.constant 0 : i32
    %dma_wait3A_131 = arith.constant 0 : i32
    %dma_wait3A_132 = tpu.memref_slice %arg4[%dma_wait3A_130, %dma_wait3A_131] : memref<4096x128xf32, #tpu.memory_space<hbm>> -> memref<4096x128xf32, #tpu.memory_space<hbm>>
    tpu.wait_indirect_dma semaphore(%arg20 : memref<!tpu.dma_semaphore, #tpu.memory_space<semaphore_mem>>) src(%dma_wait3A_132 : memref<4096x128xf32, #tpu.memory_space<hbm>>) dst(%dma_wait3A_129 : memref<96x128xf32, #tpu.memory_space<vmem>>)
    %dma_wait3A_133 = arith.constant 192 : i32
    %dma_wait3A_134 = arith.constant 0 : i32
    %dma_wait3A_135 = tpu.memref_slice %arg18[%dma_wait3A_133, %dma_wait3A_134] : memref<288x128xf32, #tpu.memory_space<vmem>> -> memref<96x128xf32, #tpu.memory_space<vmem>>
    %dma_wait3A_136 = arith.constant 0 : i32
    %dma_wait3A_137 = arith.constant 0 : i32
    %dma_wait3A_138 = tpu.memref_slice %arg4[%dma_wait3A_136, %dma_wait3A_137] : memref<4096x128xf32, #tpu.memory_space<hbm>> -> memref<4096x128xf32, #tpu.memory_space<hbm>>
    tpu.wait_indirect_dma semaphore(%arg20 : memref<!tpu.dma_semaphore, #tpu.memory_space<semaphore_mem>>) src(%dma_wait3A_138 : memref<4096x128xf32, #tpu.memory_space<hbm>>) dst(%dma_wait3A_135 : memref<96x128xf32, #tpu.memory_space<vmem>>)
    %dma_start3A_139 = arith.constant 0 : i32
    %dma_start3A_140 = tpu.memref_slice %arg11[%mul3A_2, %dma_start3A_139] : memref<9216x128xf32, #tpu.memory_space<hbm>> -> memref<288x128xf32, #tpu.memory_space<hbm>>
    %dma_start3A_141 = arith.constant 0 : i32
    %dma_start3A_142 = tpu.memref_slice %arg11[%mul3A_2, %dma_start3A_141] : memref<9216x128xf32, #tpu.memory_space<hbm>> -> memref<288x128xf32, #tpu.memory_space<hbm>>
    tpu.enqueue_dma source(%arg18 : memref<288x128xf32, #tpu.memory_space<vmem>>) target(%dma_start3A_142 : memref<288x128xf32, #tpu.memory_space<hbm>>) target_semaphore(%arg21 : memref<!tpu.dma_semaphore, #tpu.memory_space<semaphore_mem>>)
    %dma_wait3A_143 = arith.constant 0 : i32
    %dma_wait3A_144 = tpu.memref_slice %arg10[%mul3A_2, %dma_wait3A_143] : memref<9216x128xf32, #tpu.memory_space<hbm>> -> memref<288x128xf32, #tpu.memory_space<hbm>>
    %dma_wait3A_145 = arith.constant 0 : i32
    %dma_wait3A_146 = tpu.memref_slice %arg10[%mul3A_2, %dma_wait3A_145] : memref<9216x128xf32, #tpu.memory_space<hbm>> -> memref<288x128xf32, #tpu.memory_space<hbm>>
    tpu.wait_dma2 semaphore(%arg21 : memref<!tpu.dma_semaphore, #tpu.memory_space<semaphore_mem>>) src(%arg19 : memref<288x128xf32, #tpu.memory_space<vmem>>) dst(%dma_wait3A_146 : memref<288x128xf32, #tpu.memory_space<hbm>>)
    %dma_start3A_147 = arith.constant 0 : i32
    %dma_start3A_148 = arith.constant 0 : i32
    %dma_start3A_149 = tpu.memref_slice %arg19[%dma_start3A_147, %dma_start3A_148] : memref<288x128xf32, #tpu.memory_space<vmem>> -> memref<96x128xf32, #tpu.memory_space<vmem>>
    %dma_start3A_150 = arith.constant 0 : i32
    %dma_start3A_151 = arith.constant 0 : i32
    %dma_start3A_152 = tpu.memref_slice %arg5[%dma_start3A_150, %dma_start3A_151] : memref<4096x128xf32, #tpu.memory_space<hbm>> -> memref<4096x128xf32, #tpu.memory_space<hbm>>
    tpu.enqueue_indirect_dma source(%dma_start3A_152 : memref<4096x128xf32, #tpu.memory_space<hbm>>) target(%dma_start3A_149 : memref<96x128xf32, #tpu.memory_space<vmem>>) offsets(%arg15 : memref<96xi32, #tpu.memory_space<vmem>>) semaphore(%arg20 : memref<!tpu.dma_semaphore, #tpu.memory_space<semaphore_mem>>)
    %dma_start3A_153 = arith.constant 96 : i32
    %dma_start3A_154 = arith.constant 0 : i32
    %dma_start3A_155 = tpu.memref_slice %arg19[%dma_start3A_153, %dma_start3A_154] : memref<288x128xf32, #tpu.memory_space<vmem>> -> memref<96x128xf32, #tpu.memory_space<vmem>>
    %dma_start3A_156 = arith.constant 0 : i32
    %dma_start3A_157 = arith.constant 0 : i32
    %dma_start3A_158 = tpu.memref_slice %arg5[%dma_start3A_156, %dma_start3A_157] : memref<4096x128xf32, #tpu.memory_space<hbm>> -> memref<4096x128xf32, #tpu.memory_space<hbm>>
    tpu.enqueue_indirect_dma source(%dma_start3A_158 : memref<4096x128xf32, #tpu.memory_space<hbm>>) target(%dma_start3A_155 : memref<96x128xf32, #tpu.memory_space<vmem>>) offsets(%arg16 : memref<96xi32, #tpu.memory_space<vmem>>) semaphore(%arg20 : memref<!tpu.dma_semaphore, #tpu.memory_space<semaphore_mem>>)
    %dma_start3A_159 = arith.constant 192 : i32
    %dma_start3A_160 = arith.constant 0 : i32
    %dma_start3A_161 = tpu.memref_slice %arg19[%dma_start3A_159, %dma_start3A_160] : memref<288x128xf32, #tpu.memory_space<vmem>> -> memref<96x128xf32, #tpu.memory_space<vmem>>
    %dma_start3A_162 = arith.constant 0 : i32
    %dma_start3A_163 = arith.constant 0 : i32
    %dma_start3A_164 = tpu.memref_slice %arg5[%dma_start3A_162, %dma_start3A_163] : memref<4096x128xf32, #tpu.memory_space<hbm>> -> memref<4096x128xf32, #tpu.memory_space<hbm>>
    tpu.enqueue_indirect_dma source(%dma_start3A_164 : memref<4096x128xf32, #tpu.memory_space<hbm>>) target(%dma_start3A_161 : memref<96x128xf32, #tpu.memory_space<vmem>>) offsets(%arg17 : memref<96xi32, #tpu.memory_space<vmem>>) semaphore(%arg20 : memref<!tpu.dma_semaphore, #tpu.memory_space<semaphore_mem>>)
    %dma_wait3A_165 = arith.constant 0 : i32
    %dma_wait3A_166 = arith.constant 0 : i32
    %dma_wait3A_167 = tpu.memref_slice %arg19[%dma_wait3A_165, %dma_wait3A_166] : memref<288x128xf32, #tpu.memory_space<vmem>> -> memref<96x128xf32, #tpu.memory_space<vmem>>
    %dma_wait3A_168 = arith.constant 0 : i32
    %dma_wait3A_169 = arith.constant 0 : i32
    %dma_wait3A_170 = tpu.memref_slice %arg5[%dma_wait3A_168, %dma_wait3A_169] : memref<4096x128xf32, #tpu.memory_space<hbm>> -> memref<4096x128xf32, #tpu.memory_space<hbm>>
    tpu.wait_indirect_dma semaphore(%arg20 : memref<!tpu.dma_semaphore, #tpu.memory_space<semaphore_mem>>) src(%dma_wait3A_170 : memref<4096x128xf32, #tpu.memory_space<hbm>>) dst(%dma_wait3A_167 : memref<96x128xf32, #tpu.memory_space<vmem>>)
    %dma_wait3A_171 = arith.constant 96 : i32
    %dma_wait3A_172 = arith.constant 0 : i32
    %dma_wait3A_173 = tpu.memref_slice %arg19[%dma_wait3A_171, %dma_wait3A_172] : memref<288x128xf32, #tpu.memory_space<vmem>> -> memref<96x128xf32, #tpu.memory_space<vmem>>
    %dma_wait3A_174 = arith.constant 0 : i32
    %dma_wait3A_175 = arith.constant 0 : i32
    %dma_wait3A_176 = tpu.memref_slice %arg5[%dma_wait3A_174, %dma_wait3A_175] : memref<4096x128xf32, #tpu.memory_space<hbm>> -> memref<4096x128xf32, #tpu.memory_space<hbm>>
    tpu.wait_indirect_dma semaphore(%arg20 : memref<!tpu.dma_semaphore, #tpu.memory_space<semaphore_mem>>) src(%dma_wait3A_176 : memref<4096x128xf32, #tpu.memory_space<hbm>>) dst(%dma_wait3A_173 : memref<96x128xf32, #tpu.memory_space<vmem>>)
    %dma_wait3A_177 = arith.constant 192 : i32
    %dma_wait3A_178 = arith.constant 0 : i32
    %dma_wait3A_179 = tpu.memref_slice %arg19[%dma_wait3A_177, %dma_wait3A_178] : memref<288x128xf32, #tpu.memory_space<vmem>> -> memref<96x128xf32, #tpu.memory_space<vmem>>
    %dma_wait3A_180 = arith.constant 0 : i32
    %dma_wait3A_181 = arith.constant 0 : i32
    %dma_wait3A_182 = tpu.memref_slice %arg5[%dma_wait3A_180, %dma_wait3A_181] : memref<4096x128xf32, #tpu.memory_space<hbm>> -> memref<4096x128xf32, #tpu.memory_space<hbm>>
    tpu.wait_indirect_dma semaphore(%arg20 : memref<!tpu.dma_semaphore, #tpu.memory_space<semaphore_mem>>) src(%dma_wait3A_182 : memref<4096x128xf32, #tpu.memory_space<hbm>>) dst(%dma_wait3A_179 : memref<96x128xf32, #tpu.memory_space<vmem>>)
    %dma_start3A_183 = arith.constant 0 : i32
    %dma_start3A_184 = tpu.memref_slice %arg12[%mul3A_2, %dma_start3A_183] : memref<9216x128xf32, #tpu.memory_space<hbm>> -> memref<288x128xf32, #tpu.memory_space<hbm>>
    %dma_start3A_185 = arith.constant 0 : i32
    %dma_start3A_186 = tpu.memref_slice %arg12[%mul3A_2, %dma_start3A_185] : memref<9216x128xf32, #tpu.memory_space<hbm>> -> memref<288x128xf32, #tpu.memory_space<hbm>>
    tpu.enqueue_dma source(%arg19 : memref<288x128xf32, #tpu.memory_space<vmem>>) target(%dma_start3A_186 : memref<288x128xf32, #tpu.memory_space<hbm>>) target_semaphore(%arg21 : memref<!tpu.dma_semaphore, #tpu.memory_space<semaphore_mem>>)
    %dma_wait3A_187 = arith.constant 0 : i32
    %dma_wait3A_188 = tpu.memref_slice %arg11[%mul3A_2, %dma_wait3A_187] : memref<9216x128xf32, #tpu.memory_space<hbm>> -> memref<288x128xf32, #tpu.memory_space<hbm>>
    %dma_wait3A_189 = arith.constant 0 : i32
    %dma_wait3A_190 = tpu.memref_slice %arg11[%mul3A_2, %dma_wait3A_189] : memref<9216x128xf32, #tpu.memory_space<hbm>> -> memref<288x128xf32, #tpu.memory_space<hbm>>
    tpu.wait_dma2 semaphore(%arg21 : memref<!tpu.dma_semaphore, #tpu.memory_space<semaphore_mem>>) src(%arg18 : memref<288x128xf32, #tpu.memory_space<vmem>>) dst(%dma_wait3A_190 : memref<288x128xf32, #tpu.memory_space<hbm>>)
    %dma_start3A_191 = arith.constant 0 : i32
    %dma_start3A_192 = arith.constant 0 : i32
    %dma_start3A_193 = tpu.memref_slice %arg18[%dma_start3A_191, %dma_start3A_192] : memref<288x128xf32, #tpu.memory_space<vmem>> -> memref<96x128xf32, #tpu.memory_space<vmem>>
    %dma_start3A_194 = arith.constant 0 : i32
    %dma_start3A_195 = arith.constant 0 : i32
    %dma_start3A_196 = tpu.memref_slice %arg6[%dma_start3A_194, %dma_start3A_195] : memref<4096x128xf32, #tpu.memory_space<hbm>> -> memref<4096x128xf32, #tpu.memory_space<hbm>>
    tpu.enqueue_indirect_dma source(%dma_start3A_196 : memref<4096x128xf32, #tpu.memory_space<hbm>>) target(%dma_start3A_193 : memref<96x128xf32, #tpu.memory_space<vmem>>) offsets(%arg15 : memref<96xi32, #tpu.memory_space<vmem>>) semaphore(%arg20 : memref<!tpu.dma_semaphore, #tpu.memory_space<semaphore_mem>>)
    %dma_start3A_197 = arith.constant 96 : i32
    %dma_start3A_198 = arith.constant 0 : i32
    %dma_start3A_199 = tpu.memref_slice %arg18[%dma_start3A_197, %dma_start3A_198] : memref<288x128xf32, #tpu.memory_space<vmem>> -> memref<96x128xf32, #tpu.memory_space<vmem>>
    %dma_start3A_200 = arith.constant 0 : i32
    %dma_start3A_201 = arith.constant 0 : i32
    %dma_start3A_202 = tpu.memref_slice %arg6[%dma_start3A_200, %dma_start3A_201] : memref<4096x128xf32, #tpu.memory_space<hbm>> -> memref<4096x128xf32, #tpu.memory_space<hbm>>
    tpu.enqueue_indirect_dma source(%dma_start3A_202 : memref<4096x128xf32, #tpu.memory_space<hbm>>) target(%dma_start3A_199 : memref<96x128xf32, #tpu.memory_space<vmem>>) offsets(%arg16 : memref<96xi32, #tpu.memory_space<vmem>>) semaphore(%arg20 : memref<!tpu.dma_semaphore, #tpu.memory_space<semaphore_mem>>)
    %dma_start3A_203 = arith.constant 192 : i32
    %dma_start3A_204 = arith.constant 0 : i32
    %dma_start3A_205 = tpu.memref_slice %arg18[%dma_start3A_203, %dma_start3A_204] : memref<288x128xf32, #tpu.memory_space<vmem>> -> memref<96x128xf32, #tpu.memory_space<vmem>>
    %dma_start3A_206 = arith.constant 0 : i32
    %dma_start3A_207 = arith.constant 0 : i32
    %dma_start3A_208 = tpu.memref_slice %arg6[%dma_start3A_206, %dma_start3A_207] : memref<4096x128xf32, #tpu.memory_space<hbm>> -> memref<4096x128xf32, #tpu.memory_space<hbm>>
    tpu.enqueue_indirect_dma source(%dma_start3A_208 : memref<4096x128xf32, #tpu.memory_space<hbm>>) target(%dma_start3A_205 : memref<96x128xf32, #tpu.memory_space<vmem>>) offsets(%arg17 : memref<96xi32, #tpu.memory_space<vmem>>) semaphore(%arg20 : memref<!tpu.dma_semaphore, #tpu.memory_space<semaphore_mem>>)
    %dma_wait3A_209 = arith.constant 0 : i32
    %dma_wait3A_210 = arith.constant 0 : i32
    %dma_wait3A_211 = tpu.memref_slice %arg18[%dma_wait3A_209, %dma_wait3A_210] : memref<288x128xf32, #tpu.memory_space<vmem>> -> memref<96x128xf32, #tpu.memory_space<vmem>>
    %dma_wait3A_212 = arith.constant 0 : i32
    %dma_wait3A_213 = arith.constant 0 : i32
    %dma_wait3A_214 = tpu.memref_slice %arg6[%dma_wait3A_212, %dma_wait3A_213] : memref<4096x128xf32, #tpu.memory_space<hbm>> -> memref<4096x128xf32, #tpu.memory_space<hbm>>
    tpu.wait_indirect_dma semaphore(%arg20 : memref<!tpu.dma_semaphore, #tpu.memory_space<semaphore_mem>>) src(%dma_wait3A_214 : memref<4096x128xf32, #tpu.memory_space<hbm>>) dst(%dma_wait3A_211 : memref<96x128xf32, #tpu.memory_space<vmem>>)
    %dma_wait3A_215 = arith.constant 96 : i32
    %dma_wait3A_216 = arith.constant 0 : i32
    %dma_wait3A_217 = tpu.memref_slice %arg18[%dma_wait3A_215, %dma_wait3A_216] : memref<288x128xf32, #tpu.memory_space<vmem>> -> memref<96x128xf32, #tpu.memory_space<vmem>>
    %dma_wait3A_218 = arith.constant 0 : i32
    %dma_wait3A_219 = arith.constant 0 : i32
    %dma_wait3A_220 = tpu.memref_slice %arg6[%dma_wait3A_218, %dma_wait3A_219] : memref<4096x128xf32, #tpu.memory_space<hbm>> -> memref<4096x128xf32, #tpu.memory_space<hbm>>
    tpu.wait_indirect_dma semaphore(%arg20 : memref<!tpu.dma_semaphore, #tpu.memory_space<semaphore_mem>>) src(%dma_wait3A_220 : memref<4096x128xf32, #tpu.memory_space<hbm>>) dst(%dma_wait3A_217 : memref<96x128xf32, #tpu.memory_space<vmem>>)
    %dma_wait3A_221 = arith.constant 192 : i32
    %dma_wait3A_222 = arith.constant 0 : i32
    %dma_wait3A_223 = tpu.memref_slice %arg18[%dma_wait3A_221, %dma_wait3A_222] : memref<288x128xf32, #tpu.memory_space<vmem>> -> memref<96x128xf32, #tpu.memory_space<vmem>>
    %dma_wait3A_224 = arith.constant 0 : i32
    %dma_wait3A_225 = arith.constant 0 : i32
    %dma_wait3A_226 = tpu.memref_slice %arg6[%dma_wait3A_224, %dma_wait3A_225] : memref<4096x128xf32, #tpu.memory_space<hbm>> -> memref<4096x128xf32, #tpu.memory_space<hbm>>
    tpu.wait_indirect_dma semaphore(%arg20 : memref<!tpu.dma_semaphore, #tpu.memory_space<semaphore_mem>>) src(%dma_wait3A_226 : memref<4096x128xf32, #tpu.memory_space<hbm>>) dst(%dma_wait3A_223 : memref<96x128xf32, #tpu.memory_space<vmem>>)
    %dma_start3A_227 = arith.constant 0 : i32
    %dma_start3A_228 = tpu.memref_slice %arg13[%mul3A_2, %dma_start3A_227] : memref<9216x128xf32, #tpu.memory_space<hbm>> -> memref<288x128xf32, #tpu.memory_space<hbm>>
    %dma_start3A_229 = arith.constant 0 : i32
    %dma_start3A_230 = tpu.memref_slice %arg13[%mul3A_2, %dma_start3A_229] : memref<9216x128xf32, #tpu.memory_space<hbm>> -> memref<288x128xf32, #tpu.memory_space<hbm>>
    tpu.enqueue_dma source(%arg18 : memref<288x128xf32, #tpu.memory_space<vmem>>) target(%dma_start3A_230 : memref<288x128xf32, #tpu.memory_space<hbm>>) target_semaphore(%arg21 : memref<!tpu.dma_semaphore, #tpu.memory_space<semaphore_mem>>)
    %dma_wait3A_231 = arith.constant 0 : i32
    %dma_wait3A_232 = tpu.memref_slice %arg12[%mul3A_2, %dma_wait3A_231] : memref<9216x128xf32, #tpu.memory_space<hbm>> -> memref<288x128xf32, #tpu.memory_space<hbm>>
    %dma_wait3A_233 = arith.constant 0 : i32
    %dma_wait3A_234 = tpu.memref_slice %arg12[%mul3A_2, %dma_wait3A_233] : memref<9216x128xf32, #tpu.memory_space<hbm>> -> memref<288x128xf32, #tpu.memory_space<hbm>>
    tpu.wait_dma2 semaphore(%arg21 : memref<!tpu.dma_semaphore, #tpu.memory_space<semaphore_mem>>) src(%arg19 : memref<288x128xf32, #tpu.memory_space<vmem>>) dst(%dma_wait3A_234 : memref<288x128xf32, #tpu.memory_space<hbm>>)
    %dma_start3A_235 = arith.constant 0 : i32
    %dma_start3A_236 = arith.constant 0 : i32
    %dma_start3A_237 = tpu.memref_slice %arg19[%dma_start3A_235, %dma_start3A_236] : memref<288x128xf32, #tpu.memory_space<vmem>> -> memref<96x128xf32, #tpu.memory_space<vmem>>
    %dma_start3A_238 = arith.constant 0 : i32
    %dma_start3A_239 = arith.constant 0 : i32
    %dma_start3A_240 = tpu.memref_slice %arg7[%dma_start3A_238, %dma_start3A_239] : memref<4096x128xf32, #tpu.memory_space<hbm>> -> memref<4096x128xf32, #tpu.memory_space<hbm>>
    tpu.enqueue_indirect_dma source(%dma_start3A_240 : memref<4096x128xf32, #tpu.memory_space<hbm>>) target(%dma_start3A_237 : memref<96x128xf32, #tpu.memory_space<vmem>>) offsets(%arg15 : memref<96xi32, #tpu.memory_space<vmem>>) semaphore(%arg20 : memref<!tpu.dma_semaphore, #tpu.memory_space<semaphore_mem>>)
    %dma_start3A_241 = arith.constant 96 : i32
    %dma_start3A_242 = arith.constant 0 : i32
    %dma_start3A_243 = tpu.memref_slice %arg19[%dma_start3A_241, %dma_start3A_242] : memref<288x128xf32, #tpu.memory_space<vmem>> -> memref<96x128xf32, #tpu.memory_space<vmem>>
    %dma_start3A_244 = arith.constant 0 : i32
    %dma_start3A_245 = arith.constant 0 : i32
    %dma_start3A_246 = tpu.memref_slice %arg7[%dma_start3A_244, %dma_start3A_245] : memref<4096x128xf32, #tpu.memory_space<hbm>> -> memref<4096x128xf32, #tpu.memory_space<hbm>>
    tpu.enqueue_indirect_dma source(%dma_start3A_246 : memref<4096x128xf32, #tpu.memory_space<hbm>>) target(%dma_start3A_243 : memref<96x128xf32, #tpu.memory_space<vmem>>) offsets(%arg16 : memref<96xi32, #tpu.memory_space<vmem>>) semaphore(%arg20 : memref<!tpu.dma_semaphore, #tpu.memory_space<semaphore_mem>>)
    %dma_start3A_247 = arith.constant 192 : i32
    %dma_start3A_248 = arith.constant 0 : i32
    %dma_start3A_249 = tpu.memref_slice %arg19[%dma_start3A_247, %dma_start3A_248] : memref<288x128xf32, #tpu.memory_space<vmem>> -> memref<96x128xf32, #tpu.memory_space<vmem>>
    %dma_start3A_250 = arith.constant 0 : i32
    %dma_start3A_251 = arith.constant 0 : i32
    %dma_start3A_252 = tpu.memref_slice %arg7[%dma_start3A_250, %dma_start3A_251] : memref<4096x128xf32, #tpu.memory_space<hbm>> -> memref<4096x128xf32, #tpu.memory_space<hbm>>
    tpu.enqueue_indirect_dma source(%dma_start3A_252 : memref<4096x128xf32, #tpu.memory_space<hbm>>) target(%dma_start3A_249 : memref<96x128xf32, #tpu.memory_space<vmem>>) offsets(%arg17 : memref<96xi32, #tpu.memory_space<vmem>>) semaphore(%arg20 : memref<!tpu.dma_semaphore, #tpu.memory_space<semaphore_mem>>)
    %dma_wait3A_253 = arith.constant 0 : i32
    %dma_wait3A_254 = arith.constant 0 : i32
    %dma_wait3A_255 = tpu.memref_slice %arg19[%dma_wait3A_253, %dma_wait3A_254] : memref<288x128xf32, #tpu.memory_space<vmem>> -> memref<96x128xf32, #tpu.memory_space<vmem>>
    %dma_wait3A_256 = arith.constant 0 : i32
    %dma_wait3A_257 = arith.constant 0 : i32
    %dma_wait3A_258 = tpu.memref_slice %arg7[%dma_wait3A_256, %dma_wait3A_257] : memref<4096x128xf32, #tpu.memory_space<hbm>> -> memref<4096x128xf32, #tpu.memory_space<hbm>>
    tpu.wait_indirect_dma semaphore(%arg20 : memref<!tpu.dma_semaphore, #tpu.memory_space<semaphore_mem>>) src(%dma_wait3A_258 : memref<4096x128xf32, #tpu.memory_space<hbm>>) dst(%dma_wait3A_255 : memref<96x128xf32, #tpu.memory_space<vmem>>)
    %dma_wait3A_259 = arith.constant 96 : i32
    %dma_wait3A_260 = arith.constant 0 : i32
    %dma_wait3A_261 = tpu.memref_slice %arg19[%dma_wait3A_259, %dma_wait3A_260] : memref<288x128xf32, #tpu.memory_space<vmem>> -> memref<96x128xf32, #tpu.memory_space<vmem>>
    %dma_wait3A_262 = arith.constant 0 : i32
    %dma_wait3A_263 = arith.constant 0 : i32
    %dma_wait3A_264 = tpu.memref_slice %arg7[%dma_wait3A_262, %dma_wait3A_263] : memref<4096x128xf32, #tpu.memory_space<hbm>> -> memref<4096x128xf32, #tpu.memory_space<hbm>>
    tpu.wait_indirect_dma semaphore(%arg20 : memref<!tpu.dma_semaphore, #tpu.memory_space<semaphore_mem>>) src(%dma_wait3A_264 : memref<4096x128xf32, #tpu.memory_space<hbm>>) dst(%dma_wait3A_261 : memref<96x128xf32, #tpu.memory_space<vmem>>)
    %dma_wait3A_265 = arith.constant 192 : i32
    %dma_wait3A_266 = arith.constant 0 : i32
    %dma_wait3A_267 = tpu.memref_slice %arg19[%dma_wait3A_265, %dma_wait3A_266] : memref<288x128xf32, #tpu.memory_space<vmem>> -> memref<96x128xf32, #tpu.memory_space<vmem>>
    %dma_wait3A_268 = arith.constant 0 : i32
    %dma_wait3A_269 = arith.constant 0 : i32
    %dma_wait3A_270 = tpu.memref_slice %arg7[%dma_wait3A_268, %dma_wait3A_269] : memref<4096x128xf32, #tpu.memory_space<hbm>> -> memref<4096x128xf32, #tpu.memory_space<hbm>>
    tpu.wait_indirect_dma semaphore(%arg20 : memref<!tpu.dma_semaphore, #tpu.memory_space<semaphore_mem>>) src(%dma_wait3A_270 : memref<4096x128xf32, #tpu.memory_space<hbm>>) dst(%dma_wait3A_267 : memref<96x128xf32, #tpu.memory_space<vmem>>)
    %dma_start3A_271 = arith.constant 0 : i32
    %dma_start3A_272 = tpu.memref_slice %arg14[%mul3A_2, %dma_start3A_271] : memref<9216x128xf32, #tpu.memory_space<hbm>> -> memref<288x128xf32, #tpu.memory_space<hbm>>
    %dma_start3A_273 = arith.constant 0 : i32
    %dma_start3A_274 = tpu.memref_slice %arg14[%mul3A_2, %dma_start3A_273] : memref<9216x128xf32, #tpu.memory_space<hbm>> -> memref<288x128xf32, #tpu.memory_space<hbm>>
    tpu.enqueue_dma source(%arg19 : memref<288x128xf32, #tpu.memory_space<vmem>>) target(%dma_start3A_274 : memref<288x128xf32, #tpu.memory_space<hbm>>) target_semaphore(%arg21 : memref<!tpu.dma_semaphore, #tpu.memory_space<semaphore_mem>>)
    %dma_wait3A_275 = arith.constant 0 : i32
    %dma_wait3A_276 = tpu.memref_slice %arg13[%mul3A_2, %dma_wait3A_275] : memref<9216x128xf32, #tpu.memory_space<hbm>> -> memref<288x128xf32, #tpu.memory_space<hbm>>
    %dma_wait3A_277 = arith.constant 0 : i32
    %dma_wait3A_278 = tpu.memref_slice %arg13[%mul3A_2, %dma_wait3A_277] : memref<9216x128xf32, #tpu.memory_space<hbm>> -> memref<288x128xf32, #tpu.memory_space<hbm>>
    tpu.wait_dma2 semaphore(%arg21 : memref<!tpu.dma_semaphore, #tpu.memory_space<semaphore_mem>>) src(%arg18 : memref<288x128xf32, #tpu.memory_space<vmem>>) dst(%dma_wait3A_278 : memref<288x128xf32, #tpu.memory_space<hbm>>)
    %dma_wait3A_279 = arith.constant 0 : i32
    %dma_wait3A_280 = tpu.memref_slice %arg14[%mul3A_2, %dma_wait3A_279] : memref<9216x128xf32, #tpu.memory_space<hbm>> -> memref<288x128xf32, #tpu.memory_space<hbm>>
    %dma_wait3A_281 = arith.constant 0 : i32
    %dma_wait3A_282 = tpu.memref_slice %arg14[%mul3A_2, %dma_wait3A_281] : memref<9216x128xf32, #tpu.memory_space<hbm>> -> memref<288x128xf32, #tpu.memory_space<hbm>>
    tpu.wait_dma2 semaphore(%arg21 : memref<!tpu.dma_semaphore, #tpu.memory_space<semaphore_mem>>) src(%arg19 : memref<288x128xf32, #tpu.memory_space<vmem>>) dst(%dma_wait3A_282 : memref<288x128xf32, #tpu.memory_space<hbm>>)
    return
  }
}

module attributes {stable_mosaic.version = 14 : i64} {
  func.func @_mlp_body(%arg0: i32, %arg1: memref<36xi32, #tpu.memory_space<smem>>, %arg2: memref<36xi32, #tpu.memory_space<smem>>, %arg3: memref<256x128xf32, #tpu.memory_space<vmem>>, %arg4: memref<256x128xf32, #tpu.memory_space<vmem>>, %arg5: memref<256x128xf32, #tpu.memory_space<vmem>>, %arg6: memref<256x128xf32, #tpu.memory_space<vmem>>, %arg7: memref<256x128xf32, #tpu.memory_space<vmem>>, %arg8: memref<256x128xf32, #tpu.memory_space<vmem>>, %arg9: memref<1x384x384xf32, #tpu.memory_space<vmem>>, %arg10: memref<1x1x384xf32, #tpu.memory_space<vmem>>, %arg11: memref<1x384x384xf32, #tpu.memory_space<vmem>>, %arg12: memref<1x1x384xf32, #tpu.memory_space<vmem>>, %arg13: memref<1x4x384x384xf32, #tpu.memory_space<vmem>>, %arg14: memref<1x4x384xf32, #tpu.memory_space<vmem>>, %arg15: memref<1x384x128xf32, #tpu.memory_space<vmem>>, %arg16: memref<1x1x128xf32, #tpu.memory_space<vmem>>, %arg17: memref<256x128xf32, #tpu.memory_space<vmem>>) attributes {dimension_semantics = [#tpu.dimension_semantics<arbitrary>], iteration_bounds = array<i64: 36>, scalar_prefetch = 2 : i64, scratch_operands = 0 : i64, tpu.core_type = #tpu.core_type<tc>, window_params = [{transform_indices = @transform_0, window_bounds = array<i64: 256, 128>}, {transform_indices = @transform_1, window_bounds = array<i64: 256, 128>}, {transform_indices = @transform_2, window_bounds = array<i64: 256, 128>}, {transform_indices = @transform_3, window_bounds = array<i64: 256, 128>}, {transform_indices = @transform_4, window_bounds = array<i64: 256, 128>}, {transform_indices = @transform_5, window_bounds = array<i64: 256, 128>}, {transform_indices = @transform_6, window_bounds = array<i64: 1, 384, 384>}, {transform_indices = @transform_7, window_bounds = array<i64: 1, 1, 384>}, {transform_indices = @transform_8, window_bounds = array<i64: 1, 384, 384>}, {transform_indices = @transform_9, window_bounds = array<i64: 1, 1, 384>}, {transform_indices = @transform_10, window_bounds = array<i64: 1, 4, 384, 384>}, {transform_indices = @transform_11, window_bounds = array<i64: 1, 4, 384>}, {transform_indices = @transform_12, window_bounds = array<i64: 1, 384, 128>}, {transform_indices = @transform_13, window_bounds = array<i64: 1, 1, 128>}, {transform_indices = @transform_14, window_bounds = array<i64: 256, 128>}]} {
    %get3A = arith.index_cast %arg0 : i32 to index
    %get3A_0 = memref.load %arg2[%get3A] : memref<36xi32, #tpu.memory_space<smem>>
    %eq3A = arith.constant 1 : i32
    %eq3A_1 = arith.cmpi eq, %get3A_0, %eq3A : i32
    %convert_element_type3A = arith.extui %eq3A_1 : i1 to i32
    %cond3A = arith.constant 0 : i32
    %cond3A_2 = arith.cmpi ne, %convert_element_type3A, %cond3A : i32
    scf.if %cond3A_2 {
      %get3A_3 = arith.constant 0 : index
      %get3A_4 = arith.constant 0 : index
      %get3A_5 = vector.load %arg3[%get3A_3, %get3A_4] : memref<256x128xf32, #tpu.memory_space<vmem>>, vector<256x128xf32>
      %get3A_6 = arith.constant 0 : index
      %get3A_7 = arith.constant 0 : index
      %get3A_8 = vector.load %arg4[%get3A_6, %get3A_7] : memref<256x128xf32, #tpu.memory_space<vmem>>, vector<256x128xf32>
      %get3A_9 = arith.constant 0 : index
      %get3A_10 = arith.constant 0 : index
      %get3A_11 = vector.load %arg5[%get3A_9, %get3A_10] : memref<256x128xf32, #tpu.memory_space<vmem>>, vector<256x128xf32>
      %concatenate3A = tpu.concatenate %get3A_5, %get3A_8, %get3A_11 in 1 : vector<256x128xf32>, vector<256x128xf32>, vector<256x128xf32> -> vector<256x384xf32>
      %get3A_12 = arith.constant 0 : index
      %get3A_13 = arith.constant 0 : index
      %get3A_14 = vector.load %arg6[%get3A_12, %get3A_13] : memref<256x128xf32, #tpu.memory_space<vmem>>, vector<256x128xf32>
      %get3A_15 = arith.constant 0 : index
      %get3A_16 = arith.constant 0 : index
      %get3A_17 = vector.load %arg7[%get3A_15, %get3A_16] : memref<256x128xf32, #tpu.memory_space<vmem>>, vector<256x128xf32>
      %get3A_18 = arith.constant 0 : index
      %get3A_19 = arith.constant 0 : index
      %get3A_20 = vector.load %arg8[%get3A_18, %get3A_19] : memref<256x128xf32, #tpu.memory_space<vmem>>, vector<256x128xf32>
      %concatenate3A_21 = tpu.concatenate %get3A_14, %get3A_17, %get3A_20 in 1 : vector<256x128xf32>, vector<256x128xf32>, vector<256x128xf32> -> vector<256x384xf32>
      %get3A_22 = arith.constant 0 : index
      %get3A_23 = arith.constant 0 : index
      %get3A_24 = arith.constant 0 : index
      %get3A_25 = vector.load %arg11[%get3A_22, %get3A_23, %get3A_24] : memref<1x384x384xf32, #tpu.memory_space<vmem>>, vector<1x384x384xf32>
      %get3A_26 = vector.shape_cast %get3A_25 : vector<1x384x384xf32> to vector<384x384xf32>
      %max3A = arith.constant 0.000000e+00 : f32
      %max3A_27 = vector.broadcast %max3A : f32 to vector<256x384xf32>
      %max3A_28 = arith.maximumf %concatenate3A_21, %max3A_27 : vector<256x384xf32>
      %dot_general3A = arith.constant dense<0.000000e+00> : vector<256x384xf32>
      %dot_general3A_29 = tpu.matmul %max3A_28, %get3A_26, %dot_general3A {dimension_numbers = #tpu.dot_dimension_numbers<[1], [0], [0], [1], [0, 0, 1, 1], [], []>, transpose_lhs_hint = false} : vector<256x384xf32>, vector<384x384xf32>, vector<256x384xf32> -> vector<256x384xf32>
      %get3A_30 = arith.constant 0 : index
      %get3A_31 = arith.constant 0 : index
      %get3A_32 = arith.constant 0 : index
      %get3A_33 = vector.load %arg12[%get3A_30, %get3A_31, %get3A_32] : memref<1x1x384xf32, #tpu.memory_space<vmem>>, vector<1x1x384xf32>
      %get3A_34 = vector.shape_cast %get3A_33 : vector<1x1x384xf32> to vector<1x384xf32>
      %add3A = vector.broadcast %get3A_34 : vector<1x384xf32> to vector<256x384xf32>
      %add3A_35 = arith.addf %dot_general3A_29, %add3A : vector<256x384xf32>
      %get3A_36 = arith.constant 0 : index
      %get3A_37 = arith.constant 0 : index
      %get3A_38 = arith.constant 0 : index
      %get3A_39 = vector.load %arg9[%get3A_36, %get3A_37, %get3A_38] : memref<1x384x384xf32, #tpu.memory_space<vmem>>, vector<1x384x384xf32>
      %get3A_40 = vector.shape_cast %get3A_39 : vector<1x384x384xf32> to vector<384x384xf32>
      %max3A_41 = arith.constant 0.000000e+00 : f32
      %max3A_42 = vector.broadcast %max3A_41 : f32 to vector<256x384xf32>
      %max3A_43 = arith.maximumf %concatenate3A, %max3A_42 : vector<256x384xf32>
      %dot_general3A_44 = arith.constant dense<0.000000e+00> : vector<256x384xf32>
      %dot_general3A_45 = tpu.matmul %max3A_43, %get3A_40, %dot_general3A_44 {dimension_numbers = #tpu.dot_dimension_numbers<[1], [0], [0], [1], [0, 0, 1, 1], [], []>, transpose_lhs_hint = false} : vector<256x384xf32>, vector<384x384xf32>, vector<256x384xf32> -> vector<256x384xf32>
      %get3A_46 = arith.constant 0 : index
      %get3A_47 = arith.constant 0 : index
      %get3A_48 = arith.constant 0 : index
      %get3A_49 = vector.load %arg10[%get3A_46, %get3A_47, %get3A_48] : memref<1x1x384xf32, #tpu.memory_space<vmem>>, vector<1x1x384xf32>
      %get3A_50 = vector.shape_cast %get3A_49 : vector<1x1x384xf32> to vector<1x384xf32>
      %add3A_51 = vector.broadcast %get3A_50 : vector<1x384xf32> to vector<256x384xf32>
      %add3A_52 = arith.addf %dot_general3A_45, %add3A_51 : vector<256x384xf32>
      %add3A_53 = arith.addf %add3A_52, %add3A_35 : vector<256x384xf32>
      %get3A_54 = arith.constant 0 : index
      %get3A_55 = arith.constant 0 : index
      %get3A_56 = arith.constant 0 : index
      %get3A_57 = arith.constant 0 : index
      %get3A_58 = vector.load %arg13[%get3A_54, %get3A_55, %get3A_56, %get3A_57] : memref<1x4x384x384xf32, #tpu.memory_space<vmem>>, vector<1x1x384x384xf32>
      %get3A_59 = vector.shape_cast %get3A_58 : vector<1x1x384x384xf32> to vector<384x384xf32>
      %max3A_60 = arith.constant 0.000000e+00 : f32
      %max3A_61 = vector.broadcast %max3A_60 : f32 to vector<256x384xf32>
      %max3A_62 = arith.maximumf %add3A_53, %max3A_61 : vector<256x384xf32>
      %dot_general3A_63 = arith.constant dense<0.000000e+00> : vector<256x384xf32>
      %dot_general3A_64 = tpu.matmul %max3A_62, %get3A_59, %dot_general3A_63 {dimension_numbers = #tpu.dot_dimension_numbers<[1], [0], [0], [1], [0, 0, 1, 1], [], []>, transpose_lhs_hint = false} : vector<256x384xf32>, vector<384x384xf32>, vector<256x384xf32> -> vector<256x384xf32>
      %get3A_65 = arith.constant 0 : index
      %get3A_66 = arith.constant 0 : index
      %get3A_67 = arith.constant 0 : index
      %get3A_68 = vector.load %arg14[%get3A_65, %get3A_66, %get3A_67] : memref<1x4x384xf32, #tpu.memory_space<vmem>>, vector<1x1x384xf32>
      %get3A_69 = vector.shape_cast %get3A_68 : vector<1x1x384xf32> to vector<384xf32>
      %broadcast_in_dim3A = vector.shape_cast %get3A_69 : vector<384xf32> to vector<1x384xf32>
      %add3A_70 = vector.broadcast %broadcast_in_dim3A : vector<1x384xf32> to vector<256x384xf32>
      %add3A_71 = arith.addf %dot_general3A_64, %add3A_70 : vector<256x384xf32>
      %get3A_72 = arith.constant 0 : index
      %get3A_73 = arith.constant 1 : index
      %get3A_74 = arith.constant 0 : index
      %get3A_75 = arith.constant 0 : index
      %get3A_76 = vector.load %arg13[%get3A_72, %get3A_73, %get3A_74, %get3A_75] : memref<1x4x384x384xf32, #tpu.memory_space<vmem>>, vector<1x1x384x384xf32>
      %get3A_77 = vector.shape_cast %get3A_76 : vector<1x1x384x384xf32> to vector<384x384xf32>
      %max3A_78 = arith.constant 0.000000e+00 : f32
      %max3A_79 = vector.broadcast %max3A_78 : f32 to vector<256x384xf32>
      %max3A_80 = arith.maximumf %add3A_71, %max3A_79 : vector<256x384xf32>
      %dot_general3A_81 = arith.constant dense<0.000000e+00> : vector<256x384xf32>
      %dot_general3A_82 = tpu.matmul %max3A_80, %get3A_77, %dot_general3A_81 {dimension_numbers = #tpu.dot_dimension_numbers<[1], [0], [0], [1], [0, 0, 1, 1], [], []>, transpose_lhs_hint = false} : vector<256x384xf32>, vector<384x384xf32>, vector<256x384xf32> -> vector<256x384xf32>
      %get3A_83 = arith.constant 0 : index
      %get3A_84 = arith.constant 1 : index
      %get3A_85 = arith.constant 0 : index
      %get3A_86 = vector.load %arg14[%get3A_83, %get3A_84, %get3A_85] : memref<1x4x384xf32, #tpu.memory_space<vmem>>, vector<1x1x384xf32>
      %get3A_87 = vector.shape_cast %get3A_86 : vector<1x1x384xf32> to vector<384xf32>
      %broadcast_in_dim3A_88 = vector.shape_cast %get3A_87 : vector<384xf32> to vector<1x384xf32>
      %add3A_89 = vector.broadcast %broadcast_in_dim3A_88 : vector<1x384xf32> to vector<256x384xf32>
      %add3A_90 = arith.addf %dot_general3A_82, %add3A_89 : vector<256x384xf32>
      %add3A_91 = arith.addf %add3A_53, %add3A_90 : vector<256x384xf32>
      %get3A_92 = arith.constant 0 : index
      %get3A_93 = arith.constant 2 : index
      %get3A_94 = arith.constant 0 : index
      %get3A_95 = arith.constant 0 : index
      %get3A_96 = vector.load %arg13[%get3A_92, %get3A_93, %get3A_94, %get3A_95] : memref<1x4x384x384xf32, #tpu.memory_space<vmem>>, vector<1x1x384x384xf32>
      %get3A_97 = vector.shape_cast %get3A_96 : vector<1x1x384x384xf32> to vector<384x384xf32>
      %max3A_98 = arith.constant 0.000000e+00 : f32
      %max3A_99 = vector.broadcast %max3A_98 : f32 to vector<256x384xf32>
      %max3A_100 = arith.maximumf %add3A_91, %max3A_99 : vector<256x384xf32>
      %dot_general3A_101 = arith.constant dense<0.000000e+00> : vector<256x384xf32>
      %dot_general3A_102 = tpu.matmul %max3A_100, %get3A_97, %dot_general3A_101 {dimension_numbers = #tpu.dot_dimension_numbers<[1], [0], [0], [1], [0, 0, 1, 1], [], []>, transpose_lhs_hint = false} : vector<256x384xf32>, vector<384x384xf32>, vector<256x384xf32> -> vector<256x384xf32>
      %get3A_103 = arith.constant 0 : index
      %get3A_104 = arith.constant 2 : index
      %get3A_105 = arith.constant 0 : index
      %get3A_106 = vector.load %arg14[%get3A_103, %get3A_104, %get3A_105] : memref<1x4x384xf32, #tpu.memory_space<vmem>>, vector<1x1x384xf32>
      %get3A_107 = vector.shape_cast %get3A_106 : vector<1x1x384xf32> to vector<384xf32>
      %broadcast_in_dim3A_108 = vector.shape_cast %get3A_107 : vector<384xf32> to vector<1x384xf32>
      %add3A_109 = vector.broadcast %broadcast_in_dim3A_108 : vector<1x384xf32> to vector<256x384xf32>
      %add3A_110 = arith.addf %dot_general3A_102, %add3A_109 : vector<256x384xf32>
      %get3A_111 = arith.constant 0 : index
      %get3A_112 = arith.constant 3 : index
      %get3A_113 = arith.constant 0 : index
      %get3A_114 = arith.constant 0 : index
      %get3A_115 = vector.load %arg13[%get3A_111, %get3A_112, %get3A_113, %get3A_114] : memref<1x4x384x384xf32, #tpu.memory_space<vmem>>, vector<1x1x384x384xf32>
      %get3A_116 = vector.shape_cast %get3A_115 : vector<1x1x384x384xf32> to vector<384x384xf32>
      %max3A_117 = arith.constant 0.000000e+00 : f32
      %max3A_118 = vector.broadcast %max3A_117 : f32 to vector<256x384xf32>
      %max3A_119 = arith.maximumf %add3A_110, %max3A_118 : vector<256x384xf32>
      %dot_general3A_120 = arith.constant dense<0.000000e+00> : vector<256x384xf32>
      %dot_general3A_121 = tpu.matmul %max3A_119, %get3A_116, %dot_general3A_120 {dimension_numbers = #tpu.dot_dimension_numbers<[1], [0], [0], [1], [0, 0, 1, 1], [], []>, transpose_lhs_hint = false} : vector<256x384xf32>, vector<384x384xf32>, vector<256x384xf32> -> vector<256x384xf32>
      %get3A_122 = arith.constant 0 : index
      %get3A_123 = arith.constant 3 : index
      %get3A_124 = arith.constant 0 : index
      %get3A_125 = vector.load %arg14[%get3A_122, %get3A_123, %get3A_124] : memref<1x4x384xf32, #tpu.memory_space<vmem>>, vector<1x1x384xf32>
      %get3A_126 = vector.shape_cast %get3A_125 : vector<1x1x384xf32> to vector<384xf32>
      %broadcast_in_dim3A_127 = vector.shape_cast %get3A_126 : vector<384xf32> to vector<1x384xf32>
      %add3A_128 = vector.broadcast %broadcast_in_dim3A_127 : vector<1x384xf32> to vector<256x384xf32>
      %add3A_129 = arith.addf %dot_general3A_121, %add3A_128 : vector<256x384xf32>
      %add3A_130 = arith.addf %add3A_91, %add3A_129 : vector<256x384xf32>
      %get3A_131 = arith.constant 0 : index
      %get3A_132 = arith.constant 0 : index
      %get3A_133 = arith.constant 0 : index
      %get3A_134 = vector.load %arg15[%get3A_131, %get3A_132, %get3A_133] : memref<1x384x128xf32, #tpu.memory_space<vmem>>, vector<1x384x128xf32>
      %get3A_135 = vector.shape_cast %get3A_134 : vector<1x384x128xf32> to vector<384x128xf32>
      %max3A_136 = arith.constant 0.000000e+00 : f32
      %max3A_137 = vector.broadcast %max3A_136 : f32 to vector<256x384xf32>
      %max3A_138 = arith.maximumf %add3A_130, %max3A_137 : vector<256x384xf32>
      %dot_general3A_139 = arith.constant dense<0.000000e+00> : vector<256x128xf32>
      %dot_general3A_140 = tpu.matmul %max3A_138, %get3A_135, %dot_general3A_139 {dimension_numbers = #tpu.dot_dimension_numbers<[1], [0], [0], [1], [0, 0, 1, 1], [], []>, transpose_lhs_hint = false} : vector<256x384xf32>, vector<384x128xf32>, vector<256x128xf32> -> vector<256x128xf32>
      %get3A_141 = arith.constant 0 : index
      %get3A_142 = arith.constant 0 : index
      %get3A_143 = arith.constant 0 : index
      %get3A_144 = vector.load %arg16[%get3A_141, %get3A_142, %get3A_143] : memref<1x1x128xf32, #tpu.memory_space<vmem>>, vector<1x1x128xf32>
      %get3A_145 = vector.shape_cast %get3A_144 : vector<1x1x128xf32> to vector<1x128xf32>
      %add3A_146 = vector.broadcast %get3A_145 : vector<1x128xf32> to vector<256x128xf32>
      %add3A_147 = arith.addf %dot_general3A_140, %add3A_146 : vector<256x128xf32>
      %iota3A = tpu.iota {dimensions = array<i32: 0>} : vector<128x128xi32>
      %iota3A_148 = tpu.iota {dimensions = array<i32: 1>} : vector<128x128xi32>
      %jit3A = arith.constant 2 : i32
      %div3A = vector.broadcast %jit3A : i32 to vector<128x128xi32>
      %div3A_149 = arith.divsi %iota3A, %div3A : vector<128x128xi32>
      %sign3A = arith.constant 0 : i32
      %sign3A_150 = vector.broadcast %sign3A : i32 to vector<128x128xi32>
      %sign3A_151 = arith.cmpi sgt, %iota3A, %sign3A_150 : vector<128x128xi32>
      %sign3A_152 = arith.extui %sign3A_151 : vector<128x128xi1> to vector<128x128xi32>
      %sign3A_153 = arith.constant 0 : i32
      %sign3A_154 = vector.broadcast %sign3A_153 : i32 to vector<128x128xi32>
      %sign3A_155 = arith.cmpi slt, %iota3A, %sign3A_154 : vector<128x128xi32>
      %sign3A_156 = arith.extui %sign3A_155 : vector<128x128xi1> to vector<128x128xi32>
      %sign3A_157 = arith.subi %sign3A_152, %sign3A_156 : vector<128x128xi32>
      %sign3A_158 = arith.constant 0 : i32
      %sign3A_159 = arith.cmpi sgt, %jit3A, %sign3A_158 : i32
      %sign3A_160 = arith.extui %sign3A_159 : i1 to i32
      %sign3A_161 = arith.constant 0 : i32
      %sign3A_162 = arith.cmpi slt, %jit3A, %sign3A_161 : i32
      %sign3A_163 = arith.extui %sign3A_162 : i1 to i32
      %sign3A_164 = arith.subi %sign3A_160, %sign3A_163 : i32
      %ne3A = vector.broadcast %sign3A_164 : i32 to vector<128x128xi32>
      %ne3A_165 = arith.cmpi ne, %sign3A_157, %ne3A : vector<128x128xi32>
      %rem3A = vector.broadcast %jit3A : i32 to vector<128x128xi32>
      %rem3A_166 = arith.remsi %iota3A, %rem3A : vector<128x128xi32>
      %ne3A_167 = arith.constant 0 : i32
      %ne3A_168 = vector.broadcast %ne3A_167 : i32 to vector<128x128xi32>
      %ne3A_169 = arith.cmpi ne, %rem3A_166, %ne3A_168 : vector<128x128xi32>
      %and3A = arith.andi %ne3A_165, %ne3A_169 : vector<128x128xi1>
      %sub3A = arith.constant 1 : i32
      %sub3A_170 = vector.broadcast %sub3A : i32 to vector<128x128xi32>
      %sub3A_171 = arith.subi %div3A_149, %sub3A_170 : vector<128x128xi32>
      %select_n3A = arith.select %and3A, %sub3A_171, %div3A_149 : vector<128x128xi1>, vector<128x128xi32>
      %jit3A_172 = arith.constant 2 : i32
      %div3A_173 = vector.broadcast %jit3A_172 : i32 to vector<128x128xi32>
      %div3A_174 = arith.divsi %iota3A_148, %div3A_173 : vector<128x128xi32>
      %sign3A_175 = arith.constant 0 : i32
      %sign3A_176 = vector.broadcast %sign3A_175 : i32 to vector<128x128xi32>
      %sign3A_177 = arith.cmpi sgt, %iota3A_148, %sign3A_176 : vector<128x128xi32>
      %sign3A_178 = arith.extui %sign3A_177 : vector<128x128xi1> to vector<128x128xi32>
      %sign3A_179 = arith.constant 0 : i32
      %sign3A_180 = vector.broadcast %sign3A_179 : i32 to vector<128x128xi32>
      %sign3A_181 = arith.cmpi slt, %iota3A_148, %sign3A_180 : vector<128x128xi32>
      %sign3A_182 = arith.extui %sign3A_181 : vector<128x128xi1> to vector<128x128xi32>
      %sign3A_183 = arith.subi %sign3A_178, %sign3A_182 : vector<128x128xi32>
      %sign3A_184 = arith.constant 0 : i32
      %sign3A_185 = arith.cmpi sgt, %jit3A_172, %sign3A_184 : i32
      %sign3A_186 = arith.extui %sign3A_185 : i1 to i32
      %sign3A_187 = arith.constant 0 : i32
      %sign3A_188 = arith.cmpi slt, %jit3A_172, %sign3A_187 : i32
      %sign3A_189 = arith.extui %sign3A_188 : i1 to i32
      %sign3A_190 = arith.subi %sign3A_186, %sign3A_189 : i32
      %ne3A_191 = vector.broadcast %sign3A_190 : i32 to vector<128x128xi32>
      %ne3A_192 = arith.cmpi ne, %sign3A_183, %ne3A_191 : vector<128x128xi32>
      %rem3A_193 = vector.broadcast %jit3A_172 : i32 to vector<128x128xi32>
      %rem3A_194 = arith.remsi %iota3A_148, %rem3A_193 : vector<128x128xi32>
      %ne3A_195 = arith.constant 0 : i32
      %ne3A_196 = vector.broadcast %ne3A_195 : i32 to vector<128x128xi32>
      %ne3A_197 = arith.cmpi ne, %rem3A_194, %ne3A_196 : vector<128x128xi32>
      %and3A_198 = arith.andi %ne3A_192, %ne3A_197 : vector<128x128xi1>
      %sub3A_199 = arith.constant 1 : i32
      %sub3A_200 = vector.broadcast %sub3A_199 : i32 to vector<128x128xi32>
      %sub3A_201 = arith.subi %div3A_174, %sub3A_200 : vector<128x128xi32>
      %select_n3A_202 = arith.select %and3A_198, %sub3A_201, %div3A_174 : vector<128x128xi1>, vector<128x128xi32>
      %eq3A_203 = arith.cmpi eq, %select_n3A, %select_n3A_202 : vector<128x128xi32>
      %convert_element_type3A_204 = arith.extui %eq3A_203 : vector<128x128xi1> to vector<128x128xi32>
      %convert_element_type3A_205 = arith.sitofp %convert_element_type3A_204 : vector<128x128xi32> to vector<128x128xf32>
      %mul3A = arith.mulf %add3A_147, %add3A_147 : vector<256x128xf32>
      %dot_general3A_206 = arith.constant dense<0.000000e+00> : vector<256x128xf32>
      %dot_general3A_207 = tpu.matmul %mul3A, %convert_element_type3A_205, %dot_general3A_206 {dimension_numbers = #tpu.dot_dimension_numbers<[1], [0], [0], [1], [0, 0, 1, 1], [], []>, transpose_lhs_hint = false} : vector<256x128xf32>, vector<128x128xf32>, vector<256x128xf32> -> vector<256x128xf32>
      %sqrt3A = math.sqrt %dot_general3A_207 : vector<256x128xf32>
      %max3A_208 = arith.constant 9.99999996E-13 : f32
      %max3A_209 = vector.broadcast %max3A_208 : f32 to vector<256x128xf32>
      %max3A_210 = arith.maximumf %sqrt3A, %max3A_209 : vector<256x128xf32>
      %div3A_211 = arith.divf %add3A_147, %max3A_210 : vector<256x128xf32>
      %swap3A = arith.constant 0 : index
      %swap3A_212 = arith.constant 0 : index
      %swap3A_213 = vector.load %arg17[%swap3A, %swap3A_212] : memref<256x128xf32, #tpu.memory_space<vmem>>, vector<256x128xf32>
      tpu.vector_store %arg17[%swap3A, %swap3A_212], %div3A_211 {strides = array<i32>} : memref<256x128xf32, #tpu.memory_space<vmem>>, vector<256x128xf32>,
    } else {
    }
    return
  }
  func.func @transform_0(%arg0: i32, %arg1: memref<36xi32, #tpu.memory_space<smem>>, %arg2: memref<36xi32, #tpu.memory_space<smem>>) -> (i32, i32) {
    %c0_i32 = arith.constant 0 : i32
    %c0_i32_0 = arith.constant 0 : i32
    return %arg0, %c0_i32 : i32, i32
  }
  func.func @transform_1(%arg0: i32, %arg1: memref<36xi32, #tpu.memory_space<smem>>, %arg2: memref<36xi32, #tpu.memory_space<smem>>) -> (i32, i32) {
    %c0_i32 = arith.constant 0 : i32
    %c0_i32_0 = arith.constant 0 : i32
    return %arg0, %c0_i32 : i32, i32
  }
  func.func @transform_2(%arg0: i32, %arg1: memref<36xi32, #tpu.memory_space<smem>>, %arg2: memref<36xi32, #tpu.memory_space<smem>>) -> (i32, i32) {
    %c0_i32 = arith.constant 0 : i32
    %c0_i32_0 = arith.constant 0 : i32
    return %arg0, %c0_i32 : i32, i32
  }
  func.func @transform_3(%arg0: i32, %arg1: memref<36xi32, #tpu.memory_space<smem>>, %arg2: memref<36xi32, #tpu.memory_space<smem>>) -> (i32, i32) {
    %c0_i32 = arith.constant 0 : i32
    %c0_i32_0 = arith.constant 0 : i32
    return %arg0, %c0_i32 : i32, i32
  }
  func.func @transform_4(%arg0: i32, %arg1: memref<36xi32, #tpu.memory_space<smem>>, %arg2: memref<36xi32, #tpu.memory_space<smem>>) -> (i32, i32) {
    %c0_i32 = arith.constant 0 : i32
    %c0_i32_0 = arith.constant 0 : i32
    return %arg0, %c0_i32 : i32, i32
  }
  func.func @transform_5(%arg0: i32, %arg1: memref<36xi32, #tpu.memory_space<smem>>, %arg2: memref<36xi32, #tpu.memory_space<smem>>) -> (i32, i32) {
    %c0_i32 = arith.constant 0 : i32
    %c0_i32_0 = arith.constant 0 : i32
    return %arg0, %c0_i32 : i32, i32
  }
  func.func @transform_6(%arg0: i32, %arg1: memref<36xi32, #tpu.memory_space<smem>>, %arg2: memref<36xi32, #tpu.memory_space<smem>>) -> (i32, i32, i32) {
    %get3A = arith.index_cast %arg0 : i32 to index
    %get3A_0 = memref.load %arg1[%get3A] : memref<36xi32, #tpu.memory_space<smem>>
    %c0_i32 = arith.constant 0 : i32
    %c0_i32_1 = arith.constant 0 : i32
    %c0_i32_2 = arith.constant 0 : i32
    return %get3A_0, %c0_i32, %c0_i32_1 : i32, i32, i32
  }
  func.func @transform_7(%arg0: i32, %arg1: memref<36xi32, #tpu.memory_space<smem>>, %arg2: memref<36xi32, #tpu.memory_space<smem>>) -> (i32, i32, i32) {
    %get3A = arith.index_cast %arg0 : i32 to index
    %get3A_0 = memref.load %arg1[%get3A] : memref<36xi32, #tpu.memory_space<smem>>
    %c0_i32 = arith.constant 0 : i32
    %c0_i32_1 = arith.constant 0 : i32
    %c0_i32_2 = arith.constant 0 : i32
    return %get3A_0, %c0_i32, %c0_i32_1 : i32, i32, i32
  }
  func.func @transform_8(%arg0: i32, %arg1: memref<36xi32, #tpu.memory_space<smem>>, %arg2: memref<36xi32, #tpu.memory_space<smem>>) -> (i32, i32, i32) {
    %get3A = arith.index_cast %arg0 : i32 to index
    %get3A_0 = memref.load %arg1[%get3A] : memref<36xi32, #tpu.memory_space<smem>>
    %c0_i32 = arith.constant 0 : i32
    %c0_i32_1 = arith.constant 0 : i32
    %c0_i32_2 = arith.constant 0 : i32
    return %get3A_0, %c0_i32, %c0_i32_1 : i32, i32, i32
  }
  func.func @transform_9(%arg0: i32, %arg1: memref<36xi32, #tpu.memory_space<smem>>, %arg2: memref<36xi32, #tpu.memory_space<smem>>) -> (i32, i32, i32) {
    %get3A = arith.index_cast %arg0 : i32 to index
    %get3A_0 = memref.load %arg1[%get3A] : memref<36xi32, #tpu.memory_space<smem>>
    %c0_i32 = arith.constant 0 : i32
    %c0_i32_1 = arith.constant 0 : i32
    %c0_i32_2 = arith.constant 0 : i32
    return %get3A_0, %c0_i32, %c0_i32_1 : i32, i32, i32
  }
  func.func @transform_10(%arg0: i32, %arg1: memref<36xi32, #tpu.memory_space<smem>>, %arg2: memref<36xi32, #tpu.memory_space<smem>>) -> (i32, i32, i32, i32) {
    %get3A = arith.index_cast %arg0 : i32 to index
    %get3A_0 = memref.load %arg1[%get3A] : memref<36xi32, #tpu.memory_space<smem>>
    %c0_i32 = arith.constant 0 : i32
    %c0_i32_1 = arith.constant 0 : i32
    %c0_i32_2 = arith.constant 0 : i32
    %c0_i32_3 = arith.constant 0 : i32
    return %get3A_0, %c0_i32, %c0_i32_1, %c0_i32_2 : i32, i32, i32, i32
  }
  func.func @transform_11(%arg0: i32, %arg1: memref<36xi32, #tpu.memory_space<smem>>, %arg2: memref<36xi32, #tpu.memory_space<smem>>) -> (i32, i32, i32) {
    %get3A = arith.index_cast %arg0 : i32 to index
    %get3A_0 = memref.load %arg1[%get3A] : memref<36xi32, #tpu.memory_space<smem>>
    %c0_i32 = arith.constant 0 : i32
    %c0_i32_1 = arith.constant 0 : i32
    %c0_i32_2 = arith.constant 0 : i32
    return %get3A_0, %c0_i32, %c0_i32_1 : i32, i32, i32
  }
  func.func @transform_12(%arg0: i32, %arg1: memref<36xi32, #tpu.memory_space<smem>>, %arg2: memref<36xi32, #tpu.memory_space<smem>>) -> (i32, i32, i32) {
    %get3A = arith.index_cast %arg0 : i32 to index
    %get3A_0 = memref.load %arg1[%get3A] : memref<36xi32, #tpu.memory_space<smem>>
    %c0_i32 = arith.constant 0 : i32
    %c0_i32_1 = arith.constant 0 : i32
    %c0_i32_2 = arith.constant 0 : i32
    return %get3A_0, %c0_i32, %c0_i32_1 : i32, i32, i32
  }
  func.func @transform_13(%arg0: i32, %arg1: memref<36xi32, #tpu.memory_space<smem>>, %arg2: memref<36xi32, #tpu.memory_space<smem>>) -> (i32, i32, i32) {
    %get3A = arith.index_cast %arg0 : i32 to index
    %get3A_0 = memref.load %arg1[%get3A] : memref<36xi32, #tpu.memory_space<smem>>
    %c0_i32 = arith.constant 0 : i32
    %c0_i32_1 = arith.constant 0 : i32
    %c0_i32_2 = arith.constant 0 : i32
    return %get3A_0, %c0_i32, %c0_i32_1 : i32, i32, i32
  }
  func.func @transform_14(%arg0: i32, %arg1: memref<36xi32, #tpu.memory_space<smem>>, %arg2: memref<36xi32, #tpu.memory_space<smem>>) -> (i32, i32) {
    %c0_i32 = arith.constant 0 : i32
    %c0_i32_0 = arith.constant 0 : i32
    return %arg0, %c0_i32 : i32, i32
  }
}

</mosaic_0001>

<sc_bundles>
// kernel: gather_offload_async_start
scs
__scs_entry_jumppad:
0x0: {  	(pc) =	sbr.rel $0x88, $3  }
0x1: {  	(tag) =	ssettag $0x0;
	lr =	simm.s32 $0x1  }
0x2: {  	[smem:$0x3F96] =	sst lr;
	_ =	strace $0xD0000000  }
0x3: {  	_ = 	snop  }
0x4: {  	_ = 	snop  }
0x5: {  	_ = 	snop  }
0x6: {  	_ = 	snop  }
0x7: {  	_ = 	snop  }
__scs_overlays_trampoline_lowered:
0x8: {  	[smem:$0x3FA5] =	sst s0  }
0x9: {  	[smem:$0x3FA6] =	sst s1  }
0xa: {  	[smem:$0x3FA7] =	sst s2  }
0xb: {  	[smem:$0x3FA8] =	sst s3  }
0xc: {  	[smem:$0x3FA9] =	sst s4  }
0xd: {  	[smem:$0x3FAA] =	sst s5  }
0xe: {  	[smem:$0x3FAB] =	sst s6  }
0xf: {  	[smem:$0x3FAC] =	sst s7  }
0x10: {  	[smem:$0x3FAD] =	sst s8  }
0x11: {  	[smem:$0x3FAE] =	sst s9;
	s0 =	simm.s32 @!p0 $0x0  }
0x12: {  	s1 =	sld [smem:$0x3F94];
	s0 =	simm.s32 @p0 $0x1  }
0x13: {  	[smem:$0x3FAF] =	sst s0;
	s0 =	simm.s32 @!p1 $0x0  }
0x14: {  	s2 =	sld [smem:$0x3F93];
	s0 =	simm.s32 @p1 $0x1  }
0x15: {  	[smem:$0x3FB0] =	sst s0;
	s0 =	simm.s32 @!p2 $0x0  }
0x16: {  	s3 =	sld [smem:$0x3FDB];
	s0 =	simm.s32 @p2 $0x1  }
0x17: {  	s4 =	simm.s32 $0x1BF5;
	[smem:$0x3FB2] =	sst s0  }
0x18: {  	s0 =	sld [smem:$0x3F95];
	_ =	swait.ge [sflag:s4], $0x0  }
0x19: {  	s7 =	sld [smem:$0x3F96]  }
0x1a: {  	s8 =	sadd.s32 $0xFFFFE003, lr  }
0x1b: {  	s9 =	sadd.s32 $0xFFFFFEF7, lr;
	s5 =	simm.s32 $0xFFFFFFFF;
	p2 =	slt.u32 s8, $0xFFFFF086  }
0x1c: {  	p1 =	slt.u32 s9, $0xF7A;
	s5 =	simm.s32 @!p2 $0x0  }
0x1d: {  	s5 =	simm.s32 @p1 $0x1;
	p0 =	seq.s32 s7, s2  }
0x1e: {  	s7 =	smul.u32 @!p0 $0xF7A, s2;
	p2 =	seq.s32 @!p0 s5, $0x0  }
0x1f: {  	s9 =	smul.u32 $0xF7A, s1;
	s8 =	simm.s32 @!p0 $0x1BF5;
	p2 =	por !p2, p0  }
0x20: {  	[sflag:s8] =	ssyncset.s32 @!p0 $0xFFFFF086;
	s6 =	sadd.s32 @!p0 s3, s7;
	s7 =	simm.s32 @!p0 $0x108  }
0x21: {  	s3 =	sadd.s32 s3, s9;
	s6 =	sadd.s32 @!p0 $0x88, s6;
	s7 =	simm.s32 @p2 $0x1082  }
0x22: {  	[simem:s7], [sflag:s8] =	dma.local @!p0 [hbm:s6], $0xF7A  }
0x23: {  	s9 =	sor.u32 $0xD0000000, s2;
	s6 =	simm.s32 $0x108;
	_ =	swait.ge @!p0 [sflag:s8], $0x0  }
0x24: {  	s3 =	sadd.s32 $0x88, s3;
	s6 =	simm.s32 @!p1 $0x1082;
	[sflag:s4] =	ssyncset.s32 $0xFFFFF086  }
0x25: {  	[simem:s6], [sflag:s4] =	dma.local [hbm:s3], $0xF7A  }
0x26: {  	[smem:$0x3F96] =	sst s1;
	(tag) =	ssettag s2;
	_ =	strace s9  }
0x27: {  	s1 =	sld [smem:$0x3FA6]  }
0x28: {  	s2 =	sld [smem:$0x3FA7]  }
0x29: {  	s4 =	sld [smem:$0x3FA9]  }
0x2a: {  	p0 =	seq.s32 s5, $0x0;
	s5 =	sld [smem:$0x3FAA]  }
0x2b: {  	s6 =	sld [smem:$0x3FAB]  }
0x2c: {  	s7 =	sld [smem:$0x3FAC]  }
0x2d: {  	s3 =	simm.s32 $0x108;
	s8 =	sld [smem:$0x3FAD]  }
0x2e: {  	s3 =	simm.s32 @!p0 $0x1082;
	s9 =	sld [smem:$0x3FAE]  }
0x2f: {  	lr =	sadd.s32 s0, s3;
	s0 =	sld [smem:$0x3FA5]  }
0x30: {  	s3 =	sld [smem:$0x3FA8]  }
0x31: {  	[smem:$0x3FB1] =	sst s10  }
0x32: {  	s10 =	sld [smem:$0x3FAF];
	_ =	sdelay $0x3  }
0x33: {  	p0 =	seq.s32 s10, $0x1;
	s10 =	sld [smem:$0x3FB1];
	_ =	sdelay $0x3  }
0x34: {  	[smem:$0x3FB1] =	sst s10  }
0x35: {  	s10 =	sld [smem:$0x3FB0];
	_ =	sdelay $0x3  }
0x36: {  	p1 =	seq.s32 s10, $0x1;
	s10 =	sld [smem:$0x3FB1];
	_ =	sdelay $0x3  }
0x37: {  	[smem:$0x3FB1] =	sst s10  }
0x38: {  	s10 =	sld [smem:$0x3FB2]  }
0x39: {  	_ = 	snop;
	(pc) =	sbr.ind lr, $3  }
0x3a: {  	_ = 	snop  }
0x3b: {  	_ = 	snop  }
0x3c: {  	p2 =	seq.s32 s10, $0x1;
	s10 =	sld [smem:$0x3FB1]  }
0x3d: {  	_ =	shalt  }
0x3e: {  	_ =	shalt  }
0x3f: {  	_ =	shalt  }
0x40: {  	_ =	shalt  }
0x41: {  	_ =	shalt  }
0x42: {  	_ =	shalt  }
0x43: {  	_ =	shalt  }
0x44: {  	_ =	shalt  }
0x45: {  	_ =	shalt  }
0x46: {  	_ =	shalt  }
0x47: {  	_ =	shalt  }
0x48: {  	_ =	shalt  }
0x49: {  	_ =	shalt  }
0x4a: {  	_ =	shalt  }
0x4b: {  	_ =	shalt  }
0x4c: {  	_ =	shalt  }
0x4d: {  	_ =	shalt  }
0x4e: {  	_ =	shalt  }
0x4f: {  	_ =	shalt  }
0x50: {  	_ =	shalt  }
0x51: {  	_ =	shalt  }
0x52: {  	_ =	shalt  }
0x53: {  	_ =	shalt  }
0x54: {  	_ =	shalt  }
0x55: {  	_ =	shalt  }
0x56: {  	_ =	shalt  }
0x57: {  	_ =	shalt  }
0x58: {  	_ =	shalt  }
0x59: {  	_ =	shalt  }
0x5a: {  	_ =	shalt  }
0x5b: {  	_ =	shalt  }
0x5c: {  	_ =	shalt  }
0x5d: {  	_ =	shalt  }
0x5e: {  	_ =	shalt  }
0x5f: {  	_ =	shalt  }
0x60: {  	_ =	shalt  }
0x61: {  	_ =	shalt  }
0x62: {  	_ =	shalt  }
0x63: {  	_ =	shalt  }
0x64: {  	_ =	shalt  }
0x65: {  	_ =	shalt  }
0x66: {  	_ =	shalt  }
0x67: {  	_ =	shalt  }
0x68: {  	_ =	shalt  }
0x69: {  	_ =	shalt  }
0x6a: {  	_ =	shalt  }
0x6b: {  	_ =	shalt  }
0x6c: {  	_ =	shalt  }
0x6d: {  	_ =	shalt  }
0x6e: {  	_ =	shalt  }
0x6f: {  	_ =	shalt  }
0x70: {  	_ =	shalt  }
0x71: {  	_ =	shalt  }
0x72: {  	_ =	shalt  }
0x73: {  	_ =	shalt  }
0x74: {  	_ =	shalt  }
0x75: {  	_ =	shalt  }
0x76: {  	_ =	shalt  }
0x77: {  	_ =	shalt  }
0x78: {  	_ =	shalt  }
0x79: {  	_ =	shalt  }
0x7a: {  	_ =	shalt  }
0x7b: {  	_ =	shalt  }
0x7c: {  	_ =	shalt  }
0x7d: {  	_ =	shalt  }
0x7e: {  	_ =	shalt  }
0x7f: {  	_ =	shalt  }
0x80: {  	_ =	shalt  }
0x81: {  	_ =	shalt  }
0x82: {  	_ =	shalt  }
0x83: {  	_ =	shalt  }
0x84: {  	_ =	shalt  }
0x85: {  	_ =	shalt  }
0x86: {  	_ =	shalt  }
0x87: {  	_ =	shalt  }
.Lfunc_end0:
.L_simem_size_0:
called_computation_lowered:
.L_overlay_start_0:
0x88: {  	s2 =	sld [smem:$0x3FD9]  }
0x89: {  	s3 =	sld [smem:$0x3FFE];
	_ =	sdelay $0x1  }
0x8a: {  	s1 =	srdreg.scid  }
0x8b: {  	s0 =	sand.u32 $0x1, s1  }
0x8c: {  	s17 =	sshll.u32 s0, $0xA;
	s2 =	sadd.s32 s3, s2  }
0x8d: {  	s2 =	sadd.s32 s2, s17  }
0x8e: {  	[smem:$0x3FBD] =	sst s2  }
0x8f: {  	_ = 	snop  }
0x90: {  	s2 =	sld [smem:$0x3FD0];
	(tm) =	ssettm $0x1  }
0x91: {  	s18 =	sld [smem:$0x3FFB];
	_ =	sdelay $0x3  }
0x92: {  	_ =	strace s18  }
0x93: {  	s3 =	sld [smem:$0x3FFC];
	_ =	sdelay $0x3  }
0x94: {  	_ =	strace s3  }
0x95: {  	s3 =	sld [smem:$0x3FFD];
	_ =	sdelay $0x3  }
0x96: {  	_ =	strace s3  }
0x97: {  	_ =	strace $0x8FFFFFFF  }
0x98: {  	s19 =	sld [smem:$0x3FDB];
	_ =	sdelay $0x1  }
0x99: {  	s4 =	simm.s32 $_scs_section_size  }
0x9a: {  	s5 =	simm.s32 $_size__tile_overlayer_lowered;
	s6 =	simm.s32 $_tile_overlayer_lowered  }
0x9b: {  	s22 =	simm.s32 $0x1BFF;
	s21 =	sshll.u32 s6, $0x1;
	s3 =	sadd.s32 s4, s19  }
0x9c: {  	s7 =	simm.s32 $0x0;
	s20 =	sshll.u32 s5, $0x1;
	s5 =	sadd.s32 s21, s3  }
0x9d: {  	[timem:s7], [sflag:s22] =	dma.local [hbm:s5], s20  }
0x9e: {  	_ =	swait.ge [sflag:s22], s20  }
0x9f: {  	s4 =	ssub.s32 $0x0, s20;
	[sflag:s22] =	ssyncset.done $0x0  }
0xa0: {  	[sflag:s22] =	ssyncadd.s32 s4;
	_ =	sdelay $0x1  }
0xa1: {  	s23 =	simm.s32 $0x1B8B  }
0xa2: {  	_ =	swait.ge [sflag:s23], $0x1  }
0xa3: {  	[sflag:s23] =	ssyncset.done $0x0  }
0xa4: {  	s25 =	simm.s32 $0x1B8E;
	s24 =	sld [smem:$0x3FFE];
	[sflag:s23] =	ssyncadd.s32 $0xFFFFFFFF  }
0xa5: {  	s26 =	simm.s32 $execute0_lowered;
	[smem:$0x3FD2] =	sst s25  }
0xa6: {  	s5 =	sshll.u32 s26, $0x1;
	_ =	strace $0x80000046;
	[dreg:$0x1] =	wrdreg $0xFFFFFFFF  }
0xa7: {  	s28 =	simm.s32 $_size_execute0_lowered;
	s3 =	sadd.s32 s3, s5;
	[dreg:$0x0] =	wrdreg $0x0  }
0xa8: {  	s5 =	sshll.u32 s28, $0x1;
	[dreg:$0x2] =	wrdreg s3  }
0xa9: {  	[dreg:$0x3] =	wrdreg s5  }
0xaa: {  	[dreg:$0x4] =	wrdreg $0xC0  }
0xab: {  	_ =	task [dreg:s7], $0x5FFFF  }
0xac: {  	[dreg:$0x1] =	wrdreg $0xFFFFFFFF  }
0xad: {  	[dreg:$0x0] =	wrdreg $0x60  }
0xae: {  	[dreg:$0x2] =	wrdreg s24  }
0xaf: {  	[dreg:$0x3] =	wrdreg s2  }
0xb0: {  	[dreg:$0x4] =	wrdreg $0x9  }
0xb1: {  	_ =	task.clear_ibuf [dreg:s7], $0x5FFFF;
	_ =	strace $0x90000046  }
0xb2: {  	s29 =	simm.s32 $0x9;
	_ =	strace $0x80000048  }
0xb3: {  	_ =	swait.ge [sflag:s29], $0x1  }
0xb4: {  	[sflag:s29] =	ssyncadd.s32 $0xFFFFFFFF  }
0xb5: {  	_ =	strace $0x90000048  }
0xb6: {  	_ =	sfence  }
0xb7: {  	s30 =	sld [smem:$0x0];
	_ =	sdelay $0x2  }
0xb8: {  	s31 =	sshll.u32 s1, $0xD;
	s1 =	sshrl.u32 s1, $0x2  }
0xb9: {  	s3 =	sand.u32 $0x4000, s31;
	s1 =	sadd.s32 s1, s30  }
0xba: {  	s0 =	sor.u32 s3, s0;
	s1 =	sshll.u32 s1, $0x11  }
0xbb: {  	s0 =	sor.u32 s1, s0  }
0xbc: {  	s0 =	sadd.s32 $0x8F2B, s0  }
0xbd: {  	[sflag:s0] =	ssyncadd.remote.s32 $0x1  }
0xbe: {  	_ =	sfence.sel $0xFFFF  }
0xbf: {  	[dreg:$0x0] =	wrdreg $0xFFFFFFFF;
	(pc) =	sbr.abs _section_cstart, $3  }
0xc0: {  	[dreg:$0x1] =	wrdreg $0xFFFFFFFF  }
0xc1: {  	_ =	task.clear_ibuf [dreg:s7], $0x2FFFF;
	_ =	strace $0x9FFFFFFF  }
0xc2: {  	(tm) =	ssettm $0x7FFFFFFF  }
0xc3: {  	_ =	shalt  }
tec
execute0_lowered:
.L_overlay_start_1:
0x0: {  	(tag) =	ssettag $0x1  }
0x1: {  	s1 =	srdreg.scid;
	s2 =	rddreg [dreg:$0x0]  }
0x2: {  	s0 =	stileid.u32;
	s3 =	rddreg [dreg:$0x1]  }
0x3: {  	s6 =	simm.s32 $0x1;
	s9 =	simm.s32 $0x1;
	s1 =	sshll.u32 s1, $0x6  }
0x4: {  	s10 =	simm.s32 $0x3;
	s4 =	sshll.u32 s0, $0x7;
	s5 =	sand.u32 $0x40, s1  }
0x5: {  	s13 =	simm.s32 $0x0;
	s12 =	simm.s32 $0x0;
	s4 =	sor.u32 s4, s5  }
0x6: {  	s1 =	rddreg [dreg:$0x2];
	_ =	strace $0x80000047;
	s8 =	ssub.s32 $0x1000, s4  }
.Ltmp0:
0x7: {  	s5 =	sadd.s32 $0x3000, s2;
	s7 =	sand.u32 $0x7C0, s8;
	(pc) =	sbr.rel .LBB2_1-.Ltmp0, $4  }
0x8: {  	[sflag:s6] =	ssyncpa.u1 $0x0;
	s11 =	smov.u32 s4;
	p0 =	sne.s32 s7, $0x0  }
0x9: {  	s8 =	sshrl.u32 s8, $0xB;
	s7 =	simm.s32 $0x2;
	s9 =	simm.s32 @!p0 $0x0  }
0xa: {  	[sflag:s7] =	ssyncpa.u1 $0x0;
	p0 =	por $0x0, $0x0;
	s8 =	sadd.s32 s9, s8  }
0xb: {  	vm0 =	vmmov $0xffff;
	[sflag:s10] =	ssyncpa.u1 $0x0;
	s10 =	simm.s32 $0x0;
	s9 =	sadd.s32 $0x1, s8  }
.LBB2_4:
0xc: {  	vm1 =	veq.s32 v0, $0x80000000;
	v63 =	vand.u32 $0xFFF, v0;
	v2 =	vand.u32 $0x1F, v2  }
0xd: {  	v0 =	vsel vm1, $0xFFFFFFFF, v63;
	v2 =	vsel vm1, $0xFFFFFFFF, v2  }
0xe: {  	v3 =	vshll.u32 v2, $0xC;
	v4 =	vshll.u32 v0, $0x3  }
0xf: {  	v2 =	vshll.u32 v2, $0x7;
	v3 =	vand.u32 $0xFFFF8000, v3;
	v4 =	vand.u32 $0xFFFFFC00, v4  }
0x10: {  	v2 =	vand.u32 $0x380, v2;
	v3 =	vadd.s32 v4, v3  }
0x11: {  	v0 =	vand.u32 $0x7F, v0;
	v2 =	vor.u32 v2, v3  }
0x12: {  	v0 =	vor.u32 v0, v2;
	_ =	sdelay $0x1  }
0x13: {  	(ifvalue) =	ssetifvalue $0x7FFFFFFF;
	s14 =	sadd.s32 $0x10, s14  }
0x14: {  	[tilespmem:s14], [sflag:$0x1] =	stream.indirect_vreg.gather [hbm4b:s2+s10], $0x1, v1, vm0, $0x4038;
	[tilespmem:$0x100] =	vst v63  }
0x15: {  	(ifvalue) =	ssetifvalue $0x7FFFFFFF;
	s14 =	sadd.s32 $0x10, s14  }
0x16: {  	[tilespmem:s14], [sflag:$0x1] =	stream.indirect_vreg.gather [hbm4b:s2+s10], $0x1, v0, vm0, $0x4038;
	[tilespmem:$0x100] =	vst v63  }
0x17: {  	_ =	swait.ge [sflag:s6], $0x40  }
0x18: {  	s30 =	sshrl.u32 s13, $0x3;
	[sflag:s6] =	ssyncset.done $0x0  }
0x19: {  	s31 =	sand.u32 $0x7, s13;
	s14 =	sadd.s32 s5, s30;
	[sflag:s6] =	ssyncadd.s32 $0xFFFFFFC0  }
0x1a: {  	[hbm4b:s14+s31] =	stream.linear.scatter [tilespmem:s15], [sflag:$0x3], $0x40, $0x38;
	[tilespmem:$0x100] =	vst v63  }
.LBB2_5:
0x1b: {  	s15 =	sadd.s32 $0x800, s11  }
0x1c: {  	p2 =	sgt.s32 s15, $0xFFF  }
0x1d: {  	s15 =	smov.u32 @p2 s4;
	p2 =	sne.s32 s12, s9  }
.Ltmp1:
0x1e: {  	p1 =	slt.u32 s12, $0x2;
	(pc) =	sbr.rel @!p2 .LBB2_6-.Ltmp1, $4  }
0x1f: {  	s14 =	simm.s32 @!p1 $0x3  }
0x20: {  	s16 =	sadd.s32 $0x1, s12;
	_ =	swait.ge @!p1 [sflag:s14], $0x40  }
0x21: {  	s13 =	smov.u32 s11;
	p0 =	por !p0, !p0;
	[sflag:s14] =	ssyncset.done @!p1 $0x0  }
0x22: {  	s12 =	smov.u32 s16;
	s11 =	smov.u32 s15;
	[sflag:s14] =	ssyncadd.s32 @!p1 $0xFFFFFFC0  }
.LBB2_1:
0x23: {  	p1 =	sge.u32 s12, s8  }
0x24: {  	s14 =	sxor.u32 @!p1 $0xFFFFFFFF, s12  }
0x25: {  	s31 =	sadd.s32 $0xFFFFFFFF, s12;
	s15 =	sshrl.u32 @!p1 s11, $0x3;
	s14 =	sshll.u32 @!p1 s14, $0x6  }
0x26: {  	s16 =	sand.u32 @!p1 $0x7, s11;
	s15 =	sadd.s32 @!p1 s3, s15;
	s14 =	sand.u32 @!p1 $0x40, s14  }
0x27: {  	[tilespmem:s14], [sflag:$0x2] =	stream.linear.gather @!p1 [hbm4b:s15+s16], $0x40, $0x38;
	[tilespmem:$0x100] =	vst v63  }
0x28: {  	p1 =	sge.u32 s31, s8  }
.Ltmp2:
0x29: {  	_ = 	snop;
	(pc) =	sbr.rel @p1 .LBB2_5-.Ltmp2, $1  }
0x2a: {  	_ =	sdelay $0x3  }
0x2b: {  	s14 =	simm.s32 $0x1  }
0x2c: {  	_ =	swait.ge [sflag:s7], $0x40;
	s14 =	simm.s32 @!p0 $0x0  }
0x2d: {  	[sflag:s7] =	ssyncset.done $0x0;
	s14 =	sshll.u32 s14, $0x6  }
0x2e: {  	[sflag:s7] =	ssyncadd.s32 $0xFFFFFFC0;
	(ifvalue) =	ssetifvalue $0x7FFFFFFF;
	v0 =	vld.msk [tilespmem:s14+$0x0 ss:$0x1], $0xffff;
	_ =	sdelay $0x4  }
0x2f: {  	s15 =	sadd.s32 $0x10, s14;
	v1 =	vshrl.u32 v0, $0xC  }
0x30: {  	v2 =	vld.msk [tilespmem:s15+$0x0 ss:$0x1], $0xffff;
	vm1 =	veq.s32 v0, $0x80000000;
	v0 =	vand.u32 $0xFFF, v0;
	v1 =	vand.u32 $0x1F, v1  }
0x31: {  	v0 =	vsel vm1, $0xFFFFFFFF, v0;
	v1 =	vsel vm1, $0xFFFFFFFF, v1  }
0x32: {  	v4 =	vshll.u32 v0, $0x3;
	v3 =	vshll.u32 v1, $0xC  }
0x33: {  	v4 =	vand.u32 $0xFFFFFC00, v4;
	v1 =	vshll.u32 v1, $0x7;
	v3 =	vand.u32 $0xFFFF8000, v3  }
0x34: {  	v0 =	vand.u32 $0x7F, v0;
	v1 =	vand.u32 $0x380, v1;
	v3 =	vadd.s32 v4, v3  }
0x35: {  	vm1 =	veq.s32 v2, $0x80000000;
	v1 =	vor.u32 v1, v3;
	v3 =	vshrl.u32 v2, $0xC  }
0x36: {  	s17 =	sadd.s32 $0x10, s15;
	v2 =	vand.u32 $0xFFF, v2;
	v1 =	vor.u32 v0, v1;
	v3 =	vand.u32 $0x1F, v3  }
0x37: {  	v0 =	vld.msk [tilespmem:s17+$0x0 ss:$0x1], $0xffff;
	v2 =	vsel vm1, $0xFFFFFFFF, v2;
	v3 =	vsel vm1, $0xFFFFFFFF, v3  }
0x38: {  	v5 =	vshll.u32 v2, $0x3;
	v63 =	vshll.u32 v3, $0xC  }
0x39: {  	s31 =	sshll.u32 s12, $0x6;
	v5 =	vand.u32 $0xFFFFFC00, v5;
	v3 =	vshll.u32 v3, $0x7;
	v4 =	vand.u32 $0xFFFF8000, v63  }
0x3a: {  	s14 =	sor.u32 $0x80, s14;
	s15 =	sand.u32 $0x40, s31;
	(ifvalue) =	ssetifvalue $0x7FFFFFFF;
	v3 =	vand.u32 $0x380, v3;
	v4 =	vadd.s32 v5, v4  }
0x3b: {  	[tilespmem:s14], [sflag:$0x1] =	stream.indirect_vreg.gather [hbm4b:s2+s10], $0x1, v1, vm0, $0x4038;
	v1 =	vand.u32 $0x7F, v2;
	v3 =	vor.u32 v3, v4;
	[tilespmem:$0x100] =	vst v63  }
0x3c: {  	s16 =	simm.s32 $0x20;
	s15 =	sor.u32 $0x80, s15;
	s17 =	sadd.s32 $0x10, s17;
	v2 =	vshrl.u32 v0, $0xC;
	v1 =	vor.u32 v1, v3  }
.LBB2_3:
0x3d: {  	s16 =	sadd.s32 $0x10, s16;
	vm1 =	veq.s32 v0, $0x80000000;
	v3 =	vand.u32 $0xFFF, v0;
	v0 =	vld.msk [tilespmem:s17+$0x0 ss:$0x1], $0xffff;
	v2 =	vand.u32 $0x1F, v2  }
0x3e: {  	p1 =	slt.u32 s16, $0x30;
	v3 =	vsel vm1, $0xFFFFFFFF, v3;
	v2 =	vsel vm1, $0xFFFFFFFF, v2  }
.Ltmp3:
0x3f: {  	v4 =	vshll.u32 v2, $0xC;
	v5 =	vshll.u32 v3, $0x3;
	(pc) =	sbr.rel @p1 .LBB2_3-.Ltmp3, $4  }
0x40: {  	s14 =	sadd.s32 $0x10, s14;
	v2 =	vshll.u32 v2, $0x7;
	v4 =	vand.u32 $0xFFFF8000, v4;
	v5 =	vand.u32 $0xFFFFFC00, v5;
	(ifvalue) =	ssetifvalue $0x7FFFFFFF  }
0x41: {  	v2 =	vand.u32 $0x380, v2;
	v4 =	vadd.s32 v5, v4;
	[tilespmem:s14], [sflag:$0x1] =	stream.indirect_vreg.gather [hbm4b:s2+s10], $0x1, v1, vm0, $0x4038;
	[tilespmem:$0x100] =	vst v63  }
0x42: {  	v1 =	vand.u32 $0x7F, v3;
	v3 =	vor.u32 v2, v4  }
0x43: {  	s17 =	sadd.s32 $0x10, s17;
	v2 =	vshrl.u32 v0, $0xC;
	v1 =	vor.u32 v1, v3  }
.Ltmp4:
0x44: {  	_ = 	snop;
	(pc) =	sbr.rel .LBB2_4-.Ltmp4, $1  }
0x45: {  	_ =	sdelay $0x3  }
.LBB2_6:
0x46: {  	_ =	sfence.sel $0x180000  }
0x47: {  	s2 =	simm.s32 $0x2;
	[bflag:$0x0] =	sbarrier.arrive $0xFFFF  }
0x48: {  	s30 =	simm.s32 $0x3;
	[sflag:s2] =	ssyncpa.u1 $0x1  }
0x49: {  	s31 =	simm.s32 $0x1;
	[sflag:s30] =	ssyncpa.u1 $0x1  }
0x4a: {  	[sflag:s31] =	ssyncpa.u1 $0x1  }
0x4b: {  	p0 =	sne.s32 s0, $0x0;
	_ =	strace $0x90000047  }
0x4c: {  	s0 =	sadd.s32 @!p0 $0x100000, s1;
	[bflag:$0x2] =	sbarrier.arrive $0xFFFF  }
0x4d: {  	[sflag:s0] =	ssyncadd.tile.s32 @!p0 $0x1;
	_ =	shalt  }
.Lfunc_end2:
_tile_overlayer_lowered:
.L_overlay_start_2:
0x4e: {  	(tag) =	ssettag $0x2  }
0x4f: {  	s0 =	rddreg [dreg:$0x0];
	s2 =	stileid.u32  }
0x50: {  	s1 =	rddreg [dreg:$0x1];
	p0 =	sne.s32 s2, $0x0  }
0x51: {  	s3 =	rddreg [dreg:$0x2];
	[bflag:$0x3] =	sbarrier.arrive $0xFFFF;
	s2 =	simm.s32 @!p0 $0x1C01  }
0x52: {  	[timem:s3], [sflag:s2] =	dma.local @!p0 [hbm:s0], s1  }
0x53: {  	s0 =	simm.s32 @!p0 $0x1  }
0x54: {  	_ =	swait.ge @!p0 [sflag:s0], s1  }
0x55: {  	s1 =	ssub.s32 @!p0 $0x0, s1;
	[sflag:s0] =	ssyncset.done @!p0 $0x0  }
0x56: {  	[sflag:s0] =	ssyncadd.s32 @!p0 s1  }
0x57: {  	[bflag:$0x3] =	sbarrier.arrive $0xFFFF  }
0x58: {  	_ =	shalt  }

// kernel: kernel.5.cloned.1.call-start
scs
__scs_entry_jumppad:
0x0: {  	(pc) =	sbr.rel $0x88, $3  }
0x1: {  	(tag) =	ssettag $0x0;
	lr =	simm.s32 $0x1  }
0x2: {  	[smem:$0x3F96] =	sst lr;
	_ =	strace $0xD0000000  }
0x3: {  	_ = 	snop  }
0x4: {  	_ = 	snop  }
0x5: {  	_ = 	snop  }
0x6: {  	_ = 	snop  }
0x7: {  	_ = 	snop  }
__scs_overlays_trampoline_lowered:
0x8: {  	[smem:$0x3FA5] =	sst s0  }
0x9: {  	[smem:$0x3FA6] =	sst s1  }
0xa: {  	[smem:$0x3FA7] =	sst s2  }
0xb: {  	[smem:$0x3FA8] =	sst s3  }
0xc: {  	[smem:$0x3FA9] =	sst s4  }
0xd: {  	[smem:$0x3FAA] =	sst s5  }
0xe: {  	[smem:$0x3FAB] =	sst s6  }
0xf: {  	[smem:$0x3FAC] =	sst s7  }
0x10: {  	[smem:$0x3FAD] =	sst s8  }
0x11: {  	[smem:$0x3FAE] =	sst s9;
	s0 =	simm.s32 @!p0 $0x0  }
0x12: {  	s1 =	sld [smem:$0x3F94];
	s0 =	simm.s32 @p0 $0x1  }
0x13: {  	[smem:$0x3FAF] =	sst s0;
	s0 =	simm.s32 @!p1 $0x0  }
0x14: {  	s2 =	sld [smem:$0x3F93];
	s0 =	simm.s32 @p1 $0x1  }
0x15: {  	[smem:$0x3FB0] =	sst s0;
	s0 =	simm.s32 @!p2 $0x0  }
0x16: {  	s3 =	sld [smem:$0x3FDB];
	s0 =	simm.s32 @p2 $0x1  }
0x17: {  	s4 =	simm.s32 $0x1BF5;
	[smem:$0x3FB2] =	sst s0  }
0x18: {  	s0 =	sld [smem:$0x3F95];
	_ =	swait.ge [sflag:s4], $0x0  }
0x19: {  	s7 =	sld [smem:$0x3F96]  }
0x1a: {  	s8 =	sadd.s32 $0xFFFFE003, lr  }
0x1b: {  	s9 =	sadd.s32 $0xFFFFFEF7, lr;
	s5 =	simm.s32 $0xFFFFFFFF;
	p2 =	slt.u32 s8, $0xFFFFF086  }
0x1c: {  	p1 =	slt.u32 s9, $0xF7A;
	s5 =	simm.s32 @!p2 $0x0  }
0x1d: {  	s5 =	simm.s32 @p1 $0x1;
	p0 =	seq.s32 s7, s2  }
0x1e: {  	s7 =	smul.u32 @!p0 $0xF7A, s2;
	p2 =	seq.s32 @!p0 s5, $0x0  }
0x1f: {  	s9 =	smul.u32 $0xF7A, s1;
	s8 =	simm.s32 @!p0 $0x1BF5;
	p2 =	por !p2, p0  }
0x20: {  	[sflag:s8] =	ssyncset.s32 @!p0 $0xFFFFF086;
	s6 =	sadd.s32 @!p0 s3, s7;
	s7 =	simm.s32 @!p0 $0x108  }
0x21: {  	s3 =	sadd.s32 s3, s9;
	s6 =	sadd.s32 @!p0 $0x88, s6;
	s7 =	simm.s32 @p2 $0x1082  }
0x22: {  	[simem:s7], [sflag:s8] =	dma.local @!p0 [hbm:s6], $0xF7A  }
0x23: {  	s9 =	sor.u32 $0xD0000000, s2;
	s6 =	simm.s32 $0x108;
	_ =	swait.ge @!p0 [sflag:s8], $0x0  }
0x24: {  	s3 =	sadd.s32 $0x88, s3;
	s6 =	simm.s32 @!p1 $0x1082;
	[sflag:s4] =	ssyncset.s32 $0xFFFFF086  }
0x25: {  	[simem:s6], [sflag:s4] =	dma.local [hbm:s3], $0xF7A  }
0x26: {  	[smem:$0x3F96] =	sst s1;
	(tag) =	ssettag s2;
	_ =	strace s9  }
0x27: {  	s1 =	sld [smem:$0x3FA6]  }
0x28: {  	s2 =	sld [smem:$0x3FA7]  }
0x29: {  	s4 =	sld [smem:$0x3FA9]  }
0x2a: {  	p0 =	seq.s32 s5, $0x0;
	s5 =	sld [smem:$0x3FAA]  }
0x2b: {  	s6 =	sld [smem:$0x3FAB]  }
0x2c: {  	s7 =	sld [smem:$0x3FAC]  }
0x2d: {  	s3 =	simm.s32 $0x108;
	s8 =	sld [smem:$0x3FAD]  }
0x2e: {  	s3 =	simm.s32 @!p0 $0x1082;
	s9 =	sld [smem:$0x3FAE]  }
0x2f: {  	lr =	sadd.s32 s0, s3;
	s0 =	sld [smem:$0x3FA5]  }
0x30: {  	s3 =	sld [smem:$0x3FA8]  }
0x31: {  	[smem:$0x3FB1] =	sst s10  }
0x32: {  	s10 =	sld [smem:$0x3FAF];
	_ =	sdelay $0x3  }
0x33: {  	p0 =	seq.s32 s10, $0x1;
	s10 =	sld [smem:$0x3FB1];
	_ =	sdelay $0x3  }
0x34: {  	[smem:$0x3FB1] =	sst s10  }
0x35: {  	s10 =	sld [smem:$0x3FB0];
	_ =	sdelay $0x3  }
0x36: {  	p1 =	seq.s32 s10, $0x1;
	s10 =	sld [smem:$0x3FB1];
	_ =	sdelay $0x3  }
0x37: {  	[smem:$0x3FB1] =	sst s10  }
0x38: {  	s10 =	sld [smem:$0x3FB2]  }
0x39: {  	_ = 	snop;
	(pc) =	sbr.ind lr, $3  }
0x3a: {  	_ = 	snop  }
0x3b: {  	_ = 	snop  }
0x3c: {  	p2 =	seq.s32 s10, $0x1;
	s10 =	sld [smem:$0x3FB1]  }
0x3d: {  	_ =	shalt  }
0x3e: {  	_ =	shalt  }
0x3f: {  	_ =	shalt  }
0x40: {  	_ =	shalt  }
0x41: {  	_ =	shalt  }
0x42: {  	_ =	shalt  }
0x43: {  	_ =	shalt  }
0x44: {  	_ =	shalt  }
0x45: {  	_ =	shalt  }
0x46: {  	_ =	shalt  }
0x47: {  	_ =	shalt  }
0x48: {  	_ =	shalt  }
0x49: {  	_ =	shalt  }
0x4a: {  	_ =	shalt  }
0x4b: {  	_ =	shalt  }
0x4c: {  	_ =	shalt  }
0x4d: {  	_ =	shalt  }
0x4e: {  	_ =	shalt  }
0x4f: {  	_ =	shalt  }
0x50: {  	_ =	shalt  }
0x51: {  	_ =	shalt  }
0x52: {  	_ =	shalt  }
0x53: {  	_ =	shalt  }
0x54: {  	_ =	shalt  }
0x55: {  	_ =	shalt  }
0x56: {  	_ =	shalt  }
0x57: {  	_ =	shalt  }
0x58: {  	_ =	shalt  }
0x59: {  	_ =	shalt  }
0x5a: {  	_ =	shalt  }
0x5b: {  	_ =	shalt  }
0x5c: {  	_ =	shalt  }
0x5d: {  	_ =	shalt  }
0x5e: {  	_ =	shalt  }
0x5f: {  	_ =	shalt  }
0x60: {  	_ =	shalt  }
0x61: {  	_ =	shalt  }
0x62: {  	_ =	shalt  }
0x63: {  	_ =	shalt  }
0x64: {  	_ =	shalt  }
0x65: {  	_ =	shalt  }
0x66: {  	_ =	shalt  }
0x67: {  	_ =	shalt  }
0x68: {  	_ =	shalt  }
0x69: {  	_ =	shalt  }
0x6a: {  	_ =	shalt  }
0x6b: {  	_ =	shalt  }
0x6c: {  	_ =	shalt  }
0x6d: {  	_ =	shalt  }
0x6e: {  	_ =	shalt  }
0x6f: {  	_ =	shalt  }
0x70: {  	_ =	shalt  }
0x71: {  	_ =	shalt  }
0x72: {  	_ =	shalt  }
0x73: {  	_ =	shalt  }
0x74: {  	_ =	shalt  }
0x75: {  	_ =	shalt  }
0x76: {  	_ =	shalt  }
0x77: {  	_ =	shalt  }
0x78: {  	_ =	shalt  }
0x79: {  	_ =	shalt  }
0x7a: {  	_ =	shalt  }
0x7b: {  	_ =	shalt  }
0x7c: {  	_ =	shalt  }
0x7d: {  	_ =	shalt  }
0x7e: {  	_ =	shalt  }
0x7f: {  	_ =	shalt  }
0x80: {  	_ =	shalt  }
0x81: {  	_ =	shalt  }
0x82: {  	_ =	shalt  }
0x83: {  	_ =	shalt  }
0x84: {  	_ =	shalt  }
0x85: {  	_ =	shalt  }
0x86: {  	_ =	shalt  }
0x87: {  	_ =	shalt  }
.Lfunc_end0:
.L_simem_size_0:
called_computation.1_lowered:
.L_overlay_start_0:
0x88: {  	s2 =	sld [smem:$0x3FD9]  }
0x89: {  	s3 =	sld [smem:$0x3FFE];
	_ =	sdelay $0x1  }
0x8a: {  	s1 =	srdreg.scid  }
0x8b: {  	s0 =	sand.u32 $0x1, s1  }
0x8c: {  	s17 =	sshll.u32 s0, $0xA;
	s2 =	sadd.s32 s3, s2  }
0x8d: {  	s2 =	sadd.s32 s2, s17  }
0x8e: {  	[smem:$0x3FBD] =	sst s2  }
0x8f: {  	_ = 	snop  }
0x90: {  	s2 =	sld [smem:$0x3FD0];
	(tm) =	ssettm $0x1  }
0x91: {  	s18 =	sld [smem:$0x3FFB];
	_ =	sdelay $0x3  }
0x92: {  	_ =	strace s18  }
0x93: {  	s3 =	sld [smem:$0x3FFC];
	_ =	sdelay $0x3  }
0x94: {  	_ =	strace s3  }
0x95: {  	s3 =	sld [smem:$0x3FFD];
	_ =	sdelay $0x3  }
0x96: {  	_ =	strace s3  }
0x97: {  	_ =	strace $0x8FFFFFFF  }
0x98: {  	s19 =	sld [smem:$0x3FDB];
	_ =	sdelay $0x1  }
0x99: {  	s4 =	simm.s32 $_scs_section_size  }
0x9a: {  	s5 =	simm.s32 $_size__tile_overlayer_lowered;
	s6 =	simm.s32 $_tile_overlayer_lowered  }
0x9b: {  	s22 =	simm.s32 $0x1BFF;
	s21 =	sshll.u32 s6, $0x1;
	s3 =	sadd.s32 s4, s19  }
0x9c: {  	s7 =	simm.s32 $0x0;
	s20 =	sshll.u32 s5, $0x1;
	s5 =	sadd.s32 s21, s3  }
0x9d: {  	[timem:s7], [sflag:s22] =	dma.local [hbm:s5], s20  }
0x9e: {  	_ =	swait.ge [sflag:s22], s20  }
0x9f: {  	s4 =	ssub.s32 $0x0, s20;
	[sflag:s22] =	ssyncset.done $0x0  }
0xa0: {  	[sflag:s22] =	ssyncadd.s32 s4;
	_ =	sdelay $0x1  }
0xa1: {  	s23 =	simm.s32 $0x1B8B  }
0xa2: {  	_ =	swait.ge [sflag:s23], $0x1  }
0xa3: {  	[sflag:s23] =	ssyncset.done $0x0  }
0xa4: {  	s25 =	simm.s32 $0x1B8E;
	s24 =	sld [smem:$0x3FFE];
	[sflag:s23] =	ssyncadd.s32 $0xFFFFFFFF  }
0xa5: {  	s26 =	simm.s32 $execute0_lowered;
	[smem:$0x3FD2] =	sst s25  }
0xa6: {  	s5 =	sshll.u32 s26, $0x1;
	_ =	strace $0x80000049;
	[dreg:$0x1] =	wrdreg $0xFFFFFFFF  }
0xa7: {  	s28 =	simm.s32 $_size_execute0_lowered;
	s3 =	sadd.s32 s3, s5;
	[dreg:$0x0] =	wrdreg $0x0  }
0xa8: {  	s5 =	sshll.u32 s28, $0x1;
	[dreg:$0x2] =	wrdreg s3  }
0xa9: {  	[dreg:$0x3] =	wrdreg s5  }
0xaa: {  	[dreg:$0x4] =	wrdreg $0xC0  }
0xab: {  	_ =	task [dreg:s7], $0x5FFFF  }
0xac: {  	[dreg:$0x1] =	wrdreg $0xFFFFFFFF  }
0xad: {  	[dreg:$0x0] =	wrdreg $0x60  }
0xae: {  	[dreg:$0x2] =	wrdreg s24  }
0xaf: {  	[dreg:$0x3] =	wrdreg s2  }
0xb0: {  	[dreg:$0x4] =	wrdreg $0x9  }
0xb1: {  	_ =	task.clear_ibuf [dreg:s7], $0x5FFFF;
	_ =	strace $0x90000049  }
0xb2: {  	s29 =	simm.s32 $0x9;
	_ =	strace $0x8000004B  }
0xb3: {  	_ =	swait.ge [sflag:s29], $0x1  }
0xb4: {  	[sflag:s29] =	ssyncadd.s32 $0xFFFFFFFF  }
0xb5: {  	_ =	strace $0x9000004B  }
0xb6: {  	_ =	sfence  }
0xb7: {  	s30 =	sld [smem:$0x0];
	_ =	sdelay $0x2  }
0xb8: {  	s31 =	sshll.u32 s1, $0xD;
	s1 =	sshrl.u32 s1, $0x2  }
0xb9: {  	s3 =	sand.u32 $0x4000, s31;
	s1 =	sadd.s32 s1, s30  }
0xba: {  	s0 =	sor.u32 s3, s0;
	s1 =	sshll.u32 s1, $0x11  }
0xbb: {  	s0 =	sor.u32 s1, s0  }
0xbc: {  	s0 =	sadd.s32 $0x8F2B, s0  }
0xbd: {  	[sflag:s0] =	ssyncadd.remote.s32 $0x1  }
0xbe: {  	_ =	sfence.sel $0xFFFF  }
0xbf: {  	[dreg:$0x0] =	wrdreg $0xFFFFFFFF;
	(pc) =	sbr.abs _section_cstart, $3  }
0xc0: {  	[dreg:$0x1] =	wrdreg $0xFFFFFFFF  }
0xc1: {  	_ =	task.clear_ibuf [dreg:s7], $0x2FFFF;
	_ =	strace $0x9FFFFFFF  }
0xc2: {  	(tm) =	ssettm $0x7FFFFFFF  }
0xc3: {  	_ =	shalt  }
tec
execute0_lowered:
.L_overlay_start_1:
0x0: {  	(tag) =	ssettag $0x1  }
0x1: {  	s1 =	srdreg.scid;
	s0 =	stileid.u32  }
0x2: {  	s30 =	sand.u32 $0x1, s1;
	s3 =	sshll.u32 s0, $0x1  }
0x3: {  	s29 =	rddreg [dreg:$0x0];
	s15 =	sor.u32 s30, s3  }
0x4: {  	s5 =	rddreg [dreg:$0x1];
	s2 =	simm.s32 $0x0;
	s3 =	smul.u32 $0x24, s15  }
0x5: {  	s4 =	simm.s32 $0x3;
	[smem:$0x7FF] =	sst s2  }
0x6: {  	_ =	strace $0x8000004A;
	s6 =	smul.u32 $0x120, s15;
	s3 =	sadd.s32 s5, s3  }
0x7: {  	[tilespmem:s2], [sflag:$0x3] =	stream.linear.gather [hbm4b:s3+s2], $0x60, $0x38;
	[tilespmem:$0x12180] =	vst v63  }
0x8: {  	s6 =	sshrl.u32 s6, $0x3;
	_ =	swait.ge [sflag:s4], $0x60  }
0x9: {  	s7 =	sadd.s32 s5, s6;
	[sflag:s4] =	ssyncset.done $0x0  }
0xa: {  	s6 =	simm.s32 $0x80;
	s5 =	sadd.s32 $0xC, s7;
	[sflag:s4] =	ssyncadd.s32 $0xFFFFFFA0  }
0xb: {  	[tilespmem:s6], [sflag:$0x3] =	stream.linear.gather [hbm4b:s5+s2], $0x60, $0x38;
	[tilespmem:$0x12180] =	vst v63  }
0xc: {  	_ =	swait.ge [sflag:s4], $0x60  }
0xd: {  	[sflag:s4] =	ssyncset.done $0x0  }
0xe: {  	s8 =	simm.s32 $0x100;
	s7 =	sadd.s32 $0x18, s7;
	[sflag:s4] =	ssyncadd.s32 $0xFFFFFFA0  }
0xf: {  	[tilespmem:s8], [sflag:$0x3] =	stream.linear.gather [hbm4b:s7+s2], $0x60, $0x38;
	[tilespmem:$0x12180] =	vst v63  }
0x10: {  	_ =	swait.ge [sflag:s4], $0x60  }
0x11: {  	s10 =	simm.s32 $0x60;
	[sflag:s4] =	ssyncset.done $0x0  }
0x12: {  	s11 =	simm.s32 $0x180;
	s9 =	sadd.s32 $0x35600, s29;
	[sflag:s4] =	ssyncadd.s32 $0xFFFFFFA0  }
0x13: {  	[tilespmem:s11], [sflag:$0x1] =	stream.indirect.gather [hbm4b:s9+s10], $0x80, s2, s10, $0xb8;
	[tilespmem:$0x12180] =	vst v63  }
0x14: {  	s12 =	simm.s32 $0x3180  }
0x15: {  	[tilespmem:s12], [sflag:$0x1] =	stream.indirect.gather [hbm4b:s9+s10], $0x80, s6, s10, $0xb8;
	[tilespmem:$0x12180] =	vst v63  }
0x16: {  	s13 =	simm.s32 $0x6180;
	s14 =	simm.s32 $0x1  }
0x17: {  	[tilespmem:s13], [sflag:$0x1] =	stream.indirect.gather [hbm4b:s9+s10], $0x80, s8, s10, $0xb8;
	[tilespmem:$0x12180] =	vst v63  }
0x18: {  	_ =	swait.ge [sflag:s14], $0x3000  }
0x19: {  	[sflag:s14] =	ssyncset.done $0x0  }
0x1a: {  	[sflag:s14] =	ssyncadd.s32 $0xFFFFD000  }
0x1b: {  	_ =	swait.ge [sflag:s14], $0x3000  }
0x1c: {  	[sflag:s14] =	ssyncset.done $0x0  }
0x1d: {  	s15 =	smul.u32 $0x1200, s15;
	[sflag:s14] =	ssyncadd.s32 $0xFFFFD000  }
0x1e: {  	_ =	swait.ge [sflag:s14], $0x3000  }
0x1f: {  	s31 =	sadd.s32 s15, s29;
	[sflag:s14] =	ssyncset.done $0x0  }
0x20: {  	s15 =	sadd.s32 $0x65600, s31;
	[sflag:s14] =	ssyncadd.s32 $0xFFFFD000  }
0x21: {  	[hbm4b:s15+s2] =	stream.linear.scatter [tilespmem:s11], [sflag:$0x2], $0x9000, $0x38;
	[tilespmem:$0x12180] =	vst v63  }
0x22: {  	s17 =	simm.s32 $0x9180;
	s16 =	sadd.s32 $0x45600, s29  }
0x23: {  	[tilespmem:s17], [sflag:$0x1] =	stream.indirect.gather [hbm4b:s16+s10], $0x80, s2, s10, $0xb8;
	[tilespmem:$0x12180] =	vst v63  }
0x24: {  	s18 =	simm.s32 $0xC180  }
0x25: {  	[tilespmem:s18], [sflag:$0x1] =	stream.indirect.gather [hbm4b:s16+s10], $0x80, s6, s10, $0xb8;
	[tilespmem:$0x12180] =	vst v63  }
0x26: {  	s19 =	simm.s32 $0xF180  }
0x27: {  	[tilespmem:s19], [sflag:$0x1] =	stream.indirect.gather [hbm4b:s16+s10], $0x80, s8, s10, $0xb8;
	[tilespmem:$0x12180] =	vst v63  }
0x28: {  	_ =	swait.ge [sflag:s14], $0x3000  }
0x29: {  	[sflag:s14] =	ssyncset.done $0x0  }
0x2a: {  	[sflag:s14] =	ssyncadd.s32 $0xFFFFD000  }
0x2b: {  	_ =	swait.ge [sflag:s14], $0x3000  }
0x2c: {  	[sflag:s14] =	ssyncset.done $0x0  }
0x2d: {  	[sflag:s14] =	ssyncadd.s32 $0xFFFFD000  }
0x2e: {  	_ =	swait.ge [sflag:s14], $0x3000  }
0x2f: {  	[sflag:s14] =	ssyncset.done $0x0  }
0x30: {  	s20 =	simm.s32 $0x2;
	s21 =	sadd.s32 $0x89600, s31;
	[sflag:s14] =	ssyncadd.s32 $0xFFFFD000  }
0x31: {  	[hbm4b:s21+s2] =	stream.linear.scatter [tilespmem:s17], [sflag:$0x2], $0x9000, $0x38;
	[tilespmem:$0x12180] =	vst v63  }
0x32: {  	_ =	swait.ge [sflag:s20], $0x9000  }
0x33: {  	[sflag:s20] =	ssyncset.done $0x0  }
0x34: {  	s22 =	sadd.s32 $0x55600, s29;
	[sflag:s20] =	ssyncadd.s32 $0xFFFF7000  }
0x35: {  	[tilespmem:s11], [sflag:$0x1] =	stream.indirect.gather [hbm4b:s22+s10], $0x80, s2, s10, $0xb8;
	[tilespmem:$0x12180] =	vst v63  }
0x36: {  	_ = 	snop  }
0x37: {  	[tilespmem:s12], [sflag:$0x1] =	stream.indirect.gather [hbm4b:s22+s10], $0x80, s6, s10, $0xb8;
	[tilespmem:$0x12180] =	vst v63  }
0x38: {  	_ = 	snop  }
0x39: {  	[tilespmem:s13], [sflag:$0x1] =	stream.indirect.gather [hbm4b:s22+s10], $0x80, s8, s10, $0xb8;
	[tilespmem:$0x12180] =	vst v63  }
0x3a: {  	_ =	swait.ge [sflag:s14], $0x3000  }
0x3b: {  	[sflag:s14] =	ssyncset.done $0x0  }
0x3c: {  	[sflag:s14] =	ssyncadd.s32 $0xFFFFD000  }
0x3d: {  	_ =	swait.ge [sflag:s14], $0x3000  }
0x3e: {  	[sflag:s14] =	ssyncset.done $0x0  }
0x3f: {  	[sflag:s14] =	ssyncadd.s32 $0xFFFFD000  }
0x40: {  	_ =	swait.ge [sflag:s14], $0x3000  }
0x41: {  	[sflag:s14] =	ssyncset.done $0x0  }
0x42: {  	s23 =	sadd.s32 $0xAD600, s31;
	[sflag:s14] =	ssyncadd.s32 $0xFFFFD000  }
0x43: {  	[hbm4b:s23+s2] =	stream.linear.scatter [tilespmem:s11], [sflag:$0x2], $0x9000, $0x38;
	[tilespmem:$0x12180] =	vst v63  }
0x44: {  	_ =	swait.ge [sflag:s20], $0x9000  }
0x45: {  	[sflag:s20] =	ssyncset.done $0x0  }
0x46: {  	s24 =	sadd.s32 $0x25600, s29;
	[sflag:s20] =	ssyncadd.s32 $0xFFFF7000  }
0x47: {  	[tilespmem:s17], [sflag:$0x1] =	stream.indirect.gather [hbm4b:s24+s10], $0x80, s2, s10, $0xb8;
	[tilespmem:$0x12180] =	vst v63  }
0x48: {  	_ = 	snop  }
0x49: {  	[tilespmem:s18], [sflag:$0x1] =	stream.indirect.gather [hbm4b:s24+s10], $0x80, s6, s10, $0xb8;
	[tilespmem:$0x12180] =	vst v63  }
0x4a: {  	_ = 	snop  }
0x4b: {  	[tilespmem:s19], [sflag:$0x1] =	stream.indirect.gather [hbm4b:s24+s10], $0x80, s8, s10, $0xb8;
	[tilespmem:$0x12180] =	vst v63  }
0x4c: {  	_ =	swait.ge [sflag:s14], $0x3000  }
0x4d: {  	[sflag:s14] =	ssyncset.done $0x0  }
0x4e: {  	[sflag:s14] =	ssyncadd.s32 $0xFFFFD000  }
0x4f: {  	_ =	swait.ge [sflag:s14], $0x3000  }
0x50: {  	[sflag:s14] =	ssyncset.done $0x0  }
0x51: {  	[sflag:s14] =	ssyncadd.s32 $0xFFFFD000  }
0x52: {  	_ =	swait.ge [sflag:s14], $0x3000  }
0x53: {  	[sflag:s14] =	ssyncset.done $0x0  }
0x54: {  	s25 =	sadd.s32 $0xD1600, s31;
	[sflag:s14] =	ssyncadd.s32 $0xFFFFD000  }
0x55: {  	[hbm4b:s25+s2] =	stream.linear.scatter [tilespmem:s17], [sflag:$0x2], $0x9000, $0x38;
	[tilespmem:$0x12180] =	vst v63  }
0x56: {  	_ =	swait.ge [sflag:s20], $0x9000  }
0x57: {  	[sflag:s20] =	ssyncset.done $0x0  }
0x58: {  	s26 =	sadd.s32 $0x15600, s29;
	[sflag:s20] =	ssyncadd.s32 $0xFFFF7000  }
0x59: {  	[tilespmem:s11], [sflag:$0x1] =	stream.indirect.gather [hbm4b:s26+s10], $0x80, s2, s10, $0xb8;
	[tilespmem:$0x12180] =	vst v63  }
0x5a: {  	_ = 	snop  }
0x5b: {  	[tilespmem:s12], [sflag:$0x1] =	stream.indirect.gather [hbm4b:s26+s10], $0x80, s6, s10, $0xb8;
	[tilespmem:$0x12180] =	vst v63  }
0x5c: {  	_ = 	snop  }
0x5d: {  	[tilespmem:s13], [sflag:$0x1] =	stream.indirect.gather [hbm4b:s26+s10], $0x80, s8, s10, $0xb8;
	[tilespmem:$0x12180] =	vst v63  }
0x5e: {  	_ =	swait.ge [sflag:s14], $0x3000  }
0x5f: {  	[sflag:s14] =	ssyncset.done $0x0  }
0x60: {  	[sflag:s14] =	ssyncadd.s32 $0xFFFFD000  }
0x61: {  	_ =	swait.ge [sflag:s14], $0x3000  }
0x62: {  	[sflag:s14] =	ssyncset.done $0x0  }
0x63: {  	[sflag:s14] =	ssyncadd.s32 $0xFFFFD000  }
0x64: {  	_ =	swait.ge [sflag:s14], $0x3000  }
0x65: {  	[sflag:s14] =	ssyncset.done $0x0  }
0x66: {  	s28 =	sadd.s32 $0xF5600, s31;
	[sflag:s14] =	ssyncadd.s32 $0xFFFFD000  }
0x67: {  	[hbm4b:s28+s2] =	stream.linear.scatter [tilespmem:s11], [sflag:$0x2], $0x9000, $0x38;
	[tilespmem:$0x12180] =	vst v63  }
0x68: {  	_ =	swait.ge [sflag:s20], $0x9000  }
0x69: {  	[sflag:s20] =	ssyncset.done $0x0  }
0x6a: {  	s29 =	sadd.s32 $0x5600, s29;
	[sflag:s20] =	ssyncadd.s32 $0xFFFF7000  }
0x6b: {  	[tilespmem:s17], [sflag:$0x1] =	stream.indirect.gather [hbm4b:s29+s10], $0x80, s2, s10, $0xb8;
	[tilespmem:$0x12180] =	vst v63  }
0x6c: {  	_ = 	snop  }
0x6d: {  	[tilespmem:s18], [sflag:$0x1] =	stream.indirect.gather [hbm4b:s29+s10], $0x80, s6, s10, $0xb8;
	[tilespmem:$0x12180] =	vst v63  }
0x6e: {  	_ = 	snop  }
0x6f: {  	[tilespmem:s19], [sflag:$0x1] =	stream.indirect.gather [hbm4b:s29+s10], $0x80, s8, s10, $0xb8;
	[tilespmem:$0x12180] =	vst v63  }
0x70: {  	_ =	swait.ge [sflag:s14], $0x3000  }
0x71: {  	[sflag:s14] =	ssyncset.done $0x0  }
0x72: {  	[sflag:s14] =	ssyncadd.s32 $0xFFFFD000  }
0x73: {  	_ =	swait.ge [sflag:s14], $0x3000  }
0x74: {  	s1 =	ssub.s32 $0x2, s30;
	[sflag:s14] =	ssyncset.done $0x0  }
0x75: {  	s30 =	sadd.s32 $0x119600, s31;
	s31 =	sshrl.u32 s1, $0x1;
	[sflag:s14] =	ssyncadd.s32 $0xFFFFD000  }
0x76: {  	s1 =	ssub.s32 s1, s31;
	_ =	swait.ge [sflag:s14], $0x3000  }
0x77: {  	s1 =	smax.u32 s1, $0x1;
	[sflag:s14] =	ssyncset.done $0x0  }
0x78: {  	p0 =	sne.s32 s1, $0x1;
	[sflag:s14] =	ssyncadd.s32 $0xFFFFD000  }
0x79: {  	[hbm4b:s30+s2] =	stream.linear.scatter [tilespmem:s17], [sflag:$0x2], $0x9000, $0x38;
	[tilespmem:$0x12180] =	vst v63  }
.Ltmp0:
0x7a: {  	_ =	swait.ge [sflag:s20], $0x9000;
	(pc) =	sbr.rel @!p0 .LBB2_2-.Ltmp0, $4  }
0x7b: {  	[sflag:s20] =	ssyncset.done $0x0  }
0x7c: {  	[sflag:s20] =	ssyncadd.s32 $0xFFFF7000  }
0x7d: {  	_ =	swait.ge [sflag:s20], $0x9000  }
0x7e: {  	s31 =	sadd.s32 $0xFFFFFFFF, s1;
	[sflag:s20] =	ssyncset.done $0x0  }
.LBB2_1:
0x7f: {  	p0 =	sne.s32 s31, $0x1;
	s31 =	sadd.s32 $0xFFFFFFFF, s31;
	[sflag:s20] =	ssyncadd.s32 $0xFFFF7000  }
0x80: {  	[tilespmem:s2], [sflag:$0x3] =	stream.linear.gather [hbm4b:s3+s2], $0x60, $0x38;
	[tilespmem:$0x12180] =	vst v63  }
0x81: {  	_ =	swait.ge [sflag:s4], $0x60  }
0x82: {  	[sflag:s4] =	ssyncset.done $0x0  }
0x83: {  	[sflag:s4] =	ssyncadd.s32 $0xFFFFFFA0  }
0x84: {  	[tilespmem:s6], [sflag:$0x3] =	stream.linear.gather [hbm4b:s5+s2], $0x60, $0x38;
	[tilespmem:$0x12180] =	vst v63  }
0x85: {  	_ =	swait.ge [sflag:s4], $0x60  }
0x86: {  	[sflag:s4] =	ssyncset.done $0x0  }
0x87: {  	[sflag:s4] =	ssyncadd.s32 $0xFFFFFFA0  }
0x88: {  	[tilespmem:s8], [sflag:$0x3] =	stream.linear.gather [hbm4b:s7+s2], $0x60, $0x38;
	[tilespmem:$0x12180] =	vst v63  }
0x89: {  	_ =	swait.ge [sflag:s4], $0x60  }
0x8a: {  	[sflag:s4] =	ssyncset.done $0x0  }
0x8b: {  	[sflag:s4] =	ssyncadd.s32 $0xFFFFFFA0  }
0x8c: {  	[tilespmem:s11], [sflag:$0x1] =	stream.indirect.gather [hbm4b:s9+s10], $0x80, s2, s10, $0xb8;
	[tilespmem:$0x12180] =	vst v63  }
0x8d: {  	_ = 	snop  }
0x8e: {  	[tilespmem:s12], [sflag:$0x1] =	stream.indirect.gather [hbm4b:s9+s10], $0x80, s6, s10, $0xb8;
	[tilespmem:$0x12180] =	vst v63  }
0x8f: {  	_ = 	snop  }
0x90: {  	[tilespmem:s13], [sflag:$0x1] =	stream.indirect.gather [hbm4b:s9+s10], $0x80, s8, s10, $0xb8;
	[tilespmem:$0x12180] =	vst v63  }
0x91: {  	_ =	swait.ge [sflag:s14], $0x3000  }
0x92: {  	[sflag:s14] =	ssyncset.done $0x0  }
0x93: {  	[sflag:s14] =	ssyncadd.s32 $0xFFFFD000  }
0x94: {  	_ =	swait.ge [sflag:s14], $0x3000  }
0x95: {  	[sflag:s14] =	ssyncset.done $0x0  }
0x96: {  	[sflag:s14] =	ssyncadd.s32 $0xFFFFD000  }
0x97: {  	_ =	swait.ge [sflag:s14], $0x3000  }
0x98: {  	[sflag:s14] =	ssyncset.done $0x0  }
0x99: {  	[sflag:s14] =	ssyncadd.s32 $0xFFFFD000  }
0x9a: {  	[hbm4b:s15+s2] =	stream.linear.scatter [tilespmem:s11], [sflag:$0x2], $0x9000, $0x38;
	[tilespmem:$0x12180] =	vst v63  }
0x9b: {  	_ = 	snop  }
0x9c: {  	[tilespmem:s17], [sflag:$0x1] =	stream.indirect.gather [hbm4b:s16+s10], $0x80, s2, s10, $0xb8;
	[tilespmem:$0x12180] =	vst v63  }
0x9d: {  	_ = 	snop  }
0x9e: {  	[tilespmem:s18], [sflag:$0x1] =	stream.indirect.gather [hbm4b:s16+s10], $0x80, s6, s10, $0xb8;
	[tilespmem:$0x12180] =	vst v63  }
0x9f: {  	_ = 	snop  }
0xa0: {  	[tilespmem:s19], [sflag:$0x1] =	stream.indirect.gather [hbm4b:s16+s10], $0x80, s8, s10, $0xb8;
	[tilespmem:$0x12180] =	vst v63  }
0xa1: {  	_ =	swait.ge [sflag:s14], $0x3000  }
0xa2: {  	[sflag:s14] =	ssyncset.done $0x0  }
0xa3: {  	[sflag:s14] =	ssyncadd.s32 $0xFFFFD000  }
0xa4: {  	_ =	swait.ge [sflag:s14], $0x3000  }
0xa5: {  	[sflag:s14] =	ssyncset.done $0x0  }
0xa6: {  	[sflag:s14] =	ssyncadd.s32 $0xFFFFD000  }
0xa7: {  	_ =	swait.ge [sflag:s14], $0x3000  }
0xa8: {  	[sflag:s14] =	ssyncset.done $0x0  }
0xa9: {  	[sflag:s14] =	ssyncadd.s32 $0xFFFFD000  }
0xaa: {  	[hbm4b:s21+s2] =	stream.linear.scatter [tilespmem:s17], [sflag:$0x2], $0x9000, $0x38;
	[tilespmem:$0x12180] =	vst v63  }
0xab: {  	_ =	swait.ge [sflag:s20], $0x9000  }
0xac: {  	[sflag:s20] =	ssyncset.done $0x0  }
0xad: {  	[sflag:s20] =	ssyncadd.s32 $0xFFFF7000  }
0xae: {  	[tilespmem:s11], [sflag:$0x1] =	stream.indirect.gather [hbm4b:s22+s10], $0x80, s2, s10, $0xb8;
	[tilespmem:$0x12180] =	vst v63  }
0xaf: {  	_ = 	snop  }
0xb0: {  	[tilespmem:s12], [sflag:$0x1] =	stream.indirect.gather [hbm4b:s22+s10], $0x80, s6, s10, $0xb8;
	[tilespmem:$0x12180] =	vst v63  }
0xb1: {  	_ = 	snop  }
0xb2: {  	[tilespmem:s13], [sflag:$0x1] =	stream.indirect.gather [hbm4b:s22+s10], $0x80, s8, s10, $0xb8;
	[tilespmem:$0x12180] =	vst v63  }
0xb3: {  	_ =	swait.ge [sflag:s14], $0x3000  }
0xb4: {  	[sflag:s14] =	ssyncset.done $0x0  }
0xb5: {  	[sflag:s14] =	ssyncadd.s32 $0xFFFFD000  }
0xb6: {  	_ =	swait.ge [sflag:s14], $0x3000  }
0xb7: {  	[sflag:s14] =	ssyncset.done $0x0  }
0xb8: {  	[sflag:s14] =	ssyncadd.s32 $0xFFFFD000  }
0xb9: {  	_ =	swait.ge [sflag:s14], $0x3000  }
0xba: {  	[sflag:s14] =	ssyncset.done $0x0  }
0xbb: {  	[sflag:s14] =	ssyncadd.s32 $0xFFFFD000  }
0xbc: {  	[hbm4b:s23+s2] =	stream.linear.scatter [tilespmem:s11], [sflag:$0x2], $0x9000, $0x38;
	[tilespmem:$0x12180] =	vst v63  }
0xbd: {  	_ =	swait.ge [sflag:s20], $0x9000  }
0xbe: {  	[sflag:s20] =	ssyncset.done $0x0  }
0xbf: {  	[sflag:s20] =	ssyncadd.s32 $0xFFFF7000  }
0xc0: {  	[tilespmem:s17], [sflag:$0x1] =	stream.indirect.gather [hbm4b:s24+s10], $0x80, s2, s10, $0xb8;
	[tilespmem:$0x12180] =	vst v63  }
0xc1: {  	_ = 	snop  }
0xc2: {  	[tilespmem:s18], [sflag:$0x1] =	stream.indirect.gather [hbm4b:s24+s10], $0x80, s6, s10, $0xb8;
	[tilespmem:$0x12180] =	vst v63  }
0xc3: {  	_ = 	snop  }
0xc4: {  	[tilespmem:s19], [sflag:$0x1] =	stream.indirect.gather [hbm4b:s24+s10], $0x80, s8, s10, $0xb8;
	[tilespmem:$0x12180] =	vst v63  }
0xc5: {  	_ =	swait.ge [sflag:s14], $0x3000  }
0xc6: {  	[sflag:s14] =	ssyncset.done $0x0  }
0xc7: {  	[sflag:s14] =	ssyncadd.s32 $0xFFFFD000  }
0xc8: {  	_ =	swait.ge [sflag:s14], $0x3000  }
0xc9: {  	[sflag:s14] =	ssyncset.done $0x0  }
0xca: {  	[sflag:s14] =	ssyncadd.s32 $0xFFFFD000  }
0xcb: {  	_ =	swait.ge [sflag:s14], $0x3000  }
0xcc: {  	[sflag:s14] =	ssyncset.done $0x0  }
0xcd: {  	[sflag:s14] =	ssyncadd.s32 $0xFFFFD000  }
0xce: {  	[hbm4b:s25+s2] =	stream.linear.scatter [tilespmem:s17], [sflag:$0x2], $0x9000, $0x38;
	[tilespmem:$0x12180] =	vst v63  }
0xcf: {  	_ =	swait.ge [sflag:s20], $0x9000  }
0xd0: {  	[sflag:s20] =	ssyncset.done $0x0  }
0xd1: {  	[sflag:s20] =	ssyncadd.s32 $0xFFFF7000  }
0xd2: {  	[tilespmem:s11], [sflag:$0x1] =	stream.indirect.gather [hbm4b:s26+s10], $0x80, s2, s10, $0xb8;
	[tilespmem:$0x12180] =	vst v63  }
0xd3: {  	_ = 	snop  }
0xd4: {  	[tilespmem:s12], [sflag:$0x1] =	stream.indirect.gather [hbm4b:s26+s10], $0x80, s6, s10, $0xb8;
	[tilespmem:$0x12180] =	vst v63  }
0xd5: {  	_ = 	snop  }
0xd6: {  	[tilespmem:s13], [sflag:$0x1] =	stream.indirect.gather [hbm4b:s26+s10], $0x80, s8, s10, $0xb8;
	[tilespmem:$0x12180] =	vst v63  }
0xd7: {  	_ =	swait.ge [sflag:s14], $0x3000  }
0xd8: {  	[sflag:s14] =	ssyncset.done $0x0  }
0xd9: {  	[sflag:s14] =	ssyncadd.s32 $0xFFFFD000  }
0xda: {  	_ =	swait.ge [sflag:s14], $0x3000  }
0xdb: {  	[sflag:s14] =	ssyncset.done $0x0  }
0xdc: {  	[sflag:s14] =	ssyncadd.s32 $0xFFFFD000  }
0xdd: {  	_ =	swait.ge [sflag:s14], $0x3000  }
0xde: {  	[sflag:s14] =	ssyncset.done $0x0  }
0xdf: {  	[sflag:s14] =	ssyncadd.s32 $0xFFFFD000  }
0xe0: {  	[hbm4b:s28+s2] =	stream.linear.scatter [tilespmem:s11], [sflag:$0x2], $0x9000, $0x38;
	[tilespmem:$0x12180] =	vst v63  }
0xe1: {  	_ =	swait.ge [sflag:s20], $0x9000  }
0xe2: {  	[sflag:s20] =	ssyncset.done $0x0  }
0xe3: {  	[sflag:s20] =	ssyncadd.s32 $0xFFFF7000  }
0xe4: {  	[tilespmem:s17], [sflag:$0x1] =	stream.indirect.gather [hbm4b:s29+s10], $0x80, s2, s10, $0xb8;
	[tilespmem:$0x12180] =	vst v63  }
0xe5: {  	_ = 	snop  }
0xe6: {  	[tilespmem:s18], [sflag:$0x1] =	stream.indirect.gather [hbm4b:s29+s10], $0x80, s6, s10, $0xb8;
	[tilespmem:$0x12180] =	vst v63  }
0xe7: {  	_ = 	snop  }
0xe8: {  	[tilespmem:s19], [sflag:$0x1] =	stream.indirect.gather [hbm4b:s29+s10], $0x80, s8, s10, $0xb8;
	[tilespmem:$0x12180] =	vst v63  }
0xe9: {  	_ =	swait.ge [sflag:s14], $0x3000  }
0xea: {  	[sflag:s14] =	ssyncset.done $0x0  }
0xeb: {  	[sflag:s14] =	ssyncadd.s32 $0xFFFFD000  }
0xec: {  	_ =	swait.ge [sflag:s14], $0x3000  }
0xed: {  	[sflag:s14] =	ssyncset.done $0x0  }
0xee: {  	[sflag:s14] =	ssyncadd.s32 $0xFFFFD000  }
0xef: {  	_ =	swait.ge [sflag:s14], $0x3000  }
0xf0: {  	[sflag:s14] =	ssyncset.done $0x0  }
0xf1: {  	[sflag:s14] =	ssyncadd.s32 $0xFFFFD000  }
0xf2: {  	[hbm4b:s30+s2] =	stream.linear.scatter [tilespmem:s17], [sflag:$0x2], $0x9000, $0x38;
	[tilespmem:$0x12180] =	vst v63  }
.Ltmp1:
0xf3: {  	_ =	swait.ge [sflag:s20], $0x9000;
	(pc) =	sbr.rel @p0 .LBB2_1-.Ltmp1, $4  }
0xf4: {  	[sflag:s20] =	ssyncset.done $0x0  }
0xf5: {  	[sflag:s20] =	ssyncadd.s32 $0xFFFF7000  }
0xf6: {  	_ =	swait.ge [sflag:s20], $0x9000  }
0xf7: {  	[sflag:s20] =	ssyncset.done $0x0  }
.LBB2_2:
0xf8: {  	[sflag:s20] =	ssyncadd.s32 $0xFFFF7000  }
0xf9: {  	_ =	sfence.sel $0x180000  }
0xfa: {  	[bflag:$0x0] =	sbarrier.arrive $0xFFFF  }
0xfb: {  	_ =	strace $0x9000004A  }
0xfc: {  	[bflag:$0x2] =	sbarrier.arrive $0xFFFF  }
0xfd: {  	p0 =	sne.s32 s0, $0x0;
	s0 =	rddreg [dreg:$0x2]  }
0xfe: {  	s0 =	sadd.s32 @!p0 $0x100000, s0  }
0xff: {  	[sflag:s0] =	ssyncadd.tile.s32 @!p0 $0x1;
	_ =	shalt  }
.Lfunc_end2:
_tile_overlayer_lowered:
.L_overlay_start_2:
0x100: {  	(tag) =	ssettag $0x2  }
0x101: {  	s0 =	rddreg [dreg:$0x0];
	s2 =	stileid.u32  }
0x102: {  	s1 =	rddreg [dreg:$0x1];
	p0 =	sne.s32 s2, $0x0  }
0x103: {  	s3 =	rddreg [dreg:$0x2];
	[bflag:$0x3] =	sbarrier.arrive $0xFFFF;
	s2 =	simm.s32 @!p0 $0x1C03  }
0x104: {  	[timem:s3], [sflag:s2] =	dma.local @!p0 [hbm:s0], s1  }
0x105: {  	s0 =	simm.s32 @!p0 $0x3  }
0x106: {  	_ =	swait.ge @!p0 [sflag:s0], s1  }
0x107: {  	s1 =	ssub.s32 @!p0 $0x0, s1;
	[sflag:s0] =	ssyncset.done @!p0 $0x0  }
0x108: {  	[sflag:s0] =	ssyncadd.s32 @!p0 s1  }
0x109: {  	[bflag:$0x3] =	sbarrier.arrive $0xFFFF  }
0x10a: {  	_ =	shalt  }

// kernel: kernel.8.cloned.1.call-start
scs
__scs_entry_jumppad:
0x0: {  	(pc) =	sbr.rel $0x88, $3  }
0x1: {  	(tag) =	ssettag $0x0;
	lr =	simm.s32 $0x1  }
0x2: {  	[smem:$0x3F96] =	sst lr;
	_ =	strace $0xD0000000  }
0x3: {  	_ = 	snop  }
0x4: {  	_ = 	snop  }
0x5: {  	_ = 	snop  }
0x6: {  	_ = 	snop  }
0x7: {  	_ = 	snop  }
__scs_overlays_trampoline_lowered:
0x8: {  	[smem:$0x3FA5] =	sst s0  }
0x9: {  	[smem:$0x3FA6] =	sst s1  }
0xa: {  	[smem:$0x3FA7] =	sst s2  }
0xb: {  	[smem:$0x3FA8] =	sst s3  }
0xc: {  	[smem:$0x3FA9] =	sst s4  }
0xd: {  	[smem:$0x3FAA] =	sst s5  }
0xe: {  	[smem:$0x3FAB] =	sst s6  }
0xf: {  	[smem:$0x3FAC] =	sst s7  }
0x10: {  	[smem:$0x3FAD] =	sst s8  }
0x11: {  	[smem:$0x3FAE] =	sst s9;
	s0 =	simm.s32 @!p0 $0x0  }
0x12: {  	s1 =	sld [smem:$0x3F94];
	s0 =	simm.s32 @p0 $0x1  }
0x13: {  	[smem:$0x3FAF] =	sst s0;
	s0 =	simm.s32 @!p1 $0x0  }
0x14: {  	s2 =	sld [smem:$0x3F93];
	s0 =	simm.s32 @p1 $0x1  }
0x15: {  	[smem:$0x3FB0] =	sst s0;
	s0 =	simm.s32 @!p2 $0x0  }
0x16: {  	s3 =	sld [smem:$0x3FDB];
	s0 =	simm.s32 @p2 $0x1  }
0x17: {  	s4 =	simm.s32 $0x1BF5;
	[smem:$0x3FB2] =	sst s0  }
0x18: {  	s0 =	sld [smem:$0x3F95];
	_ =	swait.ge [sflag:s4], $0x0  }
0x19: {  	s7 =	sld [smem:$0x3F96]  }
0x1a: {  	s8 =	sadd.s32 $0xFFFFE003, lr  }
0x1b: {  	s9 =	sadd.s32 $0xFFFFFEF7, lr;
	s5 =	simm.s32 $0xFFFFFFFF;
	p2 =	slt.u32 s8, $0xFFFFF086  }
0x1c: {  	p1 =	slt.u32 s9, $0xF7A;
	s5 =	simm.s32 @!p2 $0x0  }
0x1d: {  	s5 =	simm.s32 @p1 $0x1;
	p0 =	seq.s32 s7, s2  }
0x1e: {  	s7 =	smul.u32 @!p0 $0xF7A, s2;
	p2 =	seq.s32 @!p0 s5, $0x0  }
0x1f: {  	s9 =	smul.u32 $0xF7A, s1;
	s8 =	simm.s32 @!p0 $0x1BF5;
	p2 =	por !p2, p0  }
0x20: {  	[sflag:s8] =	ssyncset.s32 @!p0 $0xFFFFF086;
	s6 =	sadd.s32 @!p0 s3, s7;
	s7 =	simm.s32 @!p0 $0x108  }
0x21: {  	s3 =	sadd.s32 s3, s9;
	s6 =	sadd.s32 @!p0 $0x88, s6;
	s7 =	simm.s32 @p2 $0x1082  }
0x22: {  	[simem:s7], [sflag:s8] =	dma.local @!p0 [hbm:s6], $0xF7A  }
0x23: {  	s9 =	sor.u32 $0xD0000000, s2;
	s6 =	simm.s32 $0x108;
	_ =	swait.ge @!p0 [sflag:s8], $0x0  }
0x24: {  	s3 =	sadd.s32 $0x88, s3;
	s6 =	simm.s32 @!p1 $0x1082;
	[sflag:s4] =	ssyncset.s32 $0xFFFFF086  }
0x25: {  	[simem:s6], [sflag:s4] =	dma.local [hbm:s3], $0xF7A  }
0x26: {  	[smem:$0x3F96] =	sst s1;
	(tag) =	ssettag s2;
	_ =	strace s9  }
0x27: {  	s1 =	sld [smem:$0x3FA6]  }
0x28: {  	s2 =	sld [smem:$0x3FA7]  }
0x29: {  	s4 =	sld [smem:$0x3FA9]  }
0x2a: {  	p0 =	seq.s32 s5, $0x0;
	s5 =	sld [smem:$0x3FAA]  }
0x2b: {  	s6 =	sld [smem:$0x3FAB]  }
0x2c: {  	s7 =	sld [smem:$0x3FAC]  }
0x2d: {  	s3 =	simm.s32 $0x108;
	s8 =	sld [smem:$0x3FAD]  }
0x2e: {  	s3 =	simm.s32 @!p0 $0x1082;
	s9 =	sld [smem:$0x3FAE]  }
0x2f: {  	lr =	sadd.s32 s0, s3;
	s0 =	sld [smem:$0x3FA5]  }
0x30: {  	s3 =	sld [smem:$0x3FA8]  }
0x31: {  	[smem:$0x3FB1] =	sst s10  }
0x32: {  	s10 =	sld [smem:$0x3FAF];
	_ =	sdelay $0x3  }
0x33: {  	p0 =	seq.s32 s10, $0x1;
	s10 =	sld [smem:$0x3FB1];
	_ =	sdelay $0x3  }
0x34: {  	[smem:$0x3FB1] =	sst s10  }
0x35: {  	s10 =	sld [smem:$0x3FB0];
	_ =	sdelay $0x3  }
0x36: {  	p1 =	seq.s32 s10, $0x1;
	s10 =	sld [smem:$0x3FB1];
	_ =	sdelay $0x3  }
0x37: {  	[smem:$0x3FB1] =	sst s10  }
0x38: {  	s10 =	sld [smem:$0x3FB2]  }
0x39: {  	_ = 	snop;
	(pc) =	sbr.ind lr, $3  }
0x3a: {  	_ = 	snop  }
0x3b: {  	_ = 	snop  }
0x3c: {  	p2 =	seq.s32 s10, $0x1;
	s10 =	sld [smem:$0x3FB1]  }
0x3d: {  	_ =	shalt  }
0x3e: {  	_ =	shalt  }
0x3f: {  	_ =	shalt  }
0x40: {  	_ =	shalt  }
0x41: {  	_ =	shalt  }
0x42: {  	_ =	shalt  }
0x43: {  	_ =	shalt  }
0x44: {  	_ =	shalt  }
0x45: {  	_ =	shalt  }
0x46: {  	_ =	shalt  }
0x47: {  	_ =	shalt  }
0x48: {  	_ =	shalt  }
0x49: {  	_ =	shalt  }
0x4a: {  	_ =	shalt  }
0x4b: {  	_ =	shalt  }
0x4c: {  	_ =	shalt  }
0x4d: {  	_ =	shalt  }
0x4e: {  	_ =	shalt  }
0x4f: {  	_ =	shalt  }
0x50: {  	_ =	shalt  }
0x51: {  	_ =	shalt  }
0x52: {  	_ =	shalt  }
0x53: {  	_ =	shalt  }
0x54: {  	_ =	shalt  }
0x55: {  	_ =	shalt  }
0x56: {  	_ =	shalt  }
0x57: {  	_ =	shalt  }
0x58: {  	_ =	shalt  }
0x59: {  	_ =	shalt  }
0x5a: {  	_ =	shalt  }
0x5b: {  	_ =	shalt  }
0x5c: {  	_ =	shalt  }
0x5d: {  	_ =	shalt  }
0x5e: {  	_ =	shalt  }
0x5f: {  	_ =	shalt  }
0x60: {  	_ =	shalt  }
0x61: {  	_ =	shalt  }
0x62: {  	_ =	shalt  }
0x63: {  	_ =	shalt  }
0x64: {  	_ =	shalt  }
0x65: {  	_ =	shalt  }
0x66: {  	_ =	shalt  }
0x67: {  	_ =	shalt  }
0x68: {  	_ =	shalt  }
0x69: {  	_ =	shalt  }
0x6a: {  	_ =	shalt  }
0x6b: {  	_ =	shalt  }
0x6c: {  	_ =	shalt  }
0x6d: {  	_ =	shalt  }
0x6e: {  	_ =	shalt  }
0x6f: {  	_ =	shalt  }
0x70: {  	_ =	shalt  }
0x71: {  	_ =	shalt  }
0x72: {  	_ =	shalt  }
0x73: {  	_ =	shalt  }
0x74: {  	_ =	shalt  }
0x75: {  	_ =	shalt  }
0x76: {  	_ =	shalt  }
0x77: {  	_ =	shalt  }
0x78: {  	_ =	shalt  }
0x79: {  	_ =	shalt  }
0x7a: {  	_ =	shalt  }
0x7b: {  	_ =	shalt  }
0x7c: {  	_ =	shalt  }
0x7d: {  	_ =	shalt  }
0x7e: {  	_ =	shalt  }
0x7f: {  	_ =	shalt  }
0x80: {  	_ =	shalt  }
0x81: {  	_ =	shalt  }
0x82: {  	_ =	shalt  }
0x83: {  	_ =	shalt  }
0x84: {  	_ =	shalt  }
0x85: {  	_ =	shalt  }
0x86: {  	_ =	shalt  }
0x87: {  	_ =	shalt  }
.Lfunc_end0:
.L_simem_size_0:
called_computation.2_lowered:
.L_overlay_start_0:
0x88: {  	s2 =	sld [smem:$0x3FD9]  }
0x89: {  	s3 =	sld [smem:$0x3FFE];
	_ =	sdelay $0x1  }
0x8a: {  	s1 =	srdreg.scid  }
0x8b: {  	s0 =	sand.u32 $0x1, s1  }
0x8c: {  	s16 =	sshll.u32 s0, $0xA;
	s2 =	sadd.s32 s3, s2  }
0x8d: {  	s2 =	sadd.s32 s2, s16  }
0x8e: {  	[smem:$0x3FBD] =	sst s2  }
0x8f: {  	_ = 	snop  }
0x90: {  	(tm) =	ssettm $0x1  }
0x91: {  	s17 =	sld [smem:$0x3FFB];
	_ =	sdelay $0x3  }
0x92: {  	_ =	strace s17  }
0x93: {  	s2 =	sld [smem:$0x3FFC];
	_ =	sdelay $0x3  }
0x94: {  	_ =	strace s2  }
0x95: {  	s2 =	sld [smem:$0x3FFD];
	_ =	sdelay $0x3  }
0x96: {  	_ =	strace s2  }
0x97: {  	_ =	strace $0x8FFFFFFF  }
0x98: {  	s18 =	sld [smem:$0x3FDB];
	_ =	sdelay $0x1  }
0x99: {  	s19 =	simm.s32 $_scs_section_size  }
0x9a: {  	s4 =	simm.s32 $_size__tile_overlayer_lowered;
	s5 =	simm.s32 $_tile_overlayer_lowered  }
0x9b: {  	s22 =	simm.s32 $0x1BFF;
	s21 =	sshll.u32 s5, $0x1;
	s2 =	sadd.s32 s19, s18  }
0x9c: {  	s6 =	simm.s32 $0x0;
	s20 =	sshll.u32 s4, $0x1;
	s4 =	sadd.s32 s21, s2  }
0x9d: {  	[timem:s6], [sflag:s22] =	dma.local [hbm:s4], s20  }
0x9e: {  	_ =	swait.ge [sflag:s22], s20  }
0x9f: {  	s3 =	ssub.s32 $0x0, s20;
	[sflag:s22] =	ssyncset.done $0x0  }
0xa0: {  	[sflag:s22] =	ssyncadd.s32 s3;
	_ =	sdelay $0x1  }
0xa1: {  	s23 =	simm.s32 $0x1B8B  }
0xa2: {  	_ =	swait.ge [sflag:s23], $0x1  }
0xa3: {  	[sflag:s23] =	ssyncset.done $0x0  }
0xa4: {  	s25 =	simm.s32 $0x1B8E;
	s24 =	sld [smem:$0x3FFE];
	[sflag:s23] =	ssyncadd.s32 $0xFFFFFFFF  }
0xa5: {  	s26 =	simm.s32 $execute0_lowered;
	[smem:$0x3FD2] =	sst s25  }
0xa6: {  	s4 =	sshll.u32 s26, $0x1;
	_ =	strace $0x8000004C;
	[dreg:$0x1] =	wrdreg $0xFFFFFFFF  }
0xa7: {  	s28 =	simm.s32 $_size_execute0_lowered;
	s2 =	sadd.s32 s2, s4;
	[dreg:$0x0] =	wrdreg $0x0  }
0xa8: {  	s4 =	sshll.u32 s28, $0x1;
	[dreg:$0x2] =	wrdreg s2  }
0xa9: {  	[dreg:$0x3] =	wrdreg s4  }
0xaa: {  	[dreg:$0x4] =	wrdreg $0xC0  }
0xab: {  	_ =	task [dreg:s6], $0x5FFFF  }
0xac: {  	[dreg:$0x1] =	wrdreg $0xFFFFFFFF  }
0xad: {  	[dreg:$0x0] =	wrdreg $0x60  }
0xae: {  	[dreg:$0x2] =	wrdreg s24  }
0xaf: {  	[dreg:$0x3] =	wrdreg $0x9  }
0xb0: {  	_ =	task.clear_ibuf [dreg:s6], $0x4FFFF;
	_ =	strace $0x9000004C  }
0xb1: {  	s29 =	simm.s32 $0x9;
	_ =	strace $0x8000004E  }
0xb2: {  	_ =	swait.ge [sflag:s29], $0x1  }
0xb3: {  	[sflag:s29] =	ssyncadd.s32 $0xFFFFFFFF  }
0xb4: {  	_ =	strace $0x9000004E  }
0xb5: {  	_ =	sfence  }
0xb6: {  	s30 =	sld [smem:$0x0];
	_ =	sdelay $0x2  }
0xb7: {  	s31 =	sshll.u32 s1, $0xD;
	s1 =	sshrl.u32 s1, $0x2  }
0xb8: {  	s3 =	sand.u32 $0x4000, s31;
	s1 =	sadd.s32 s1, s30  }
0xb9: {  	s0 =	sor.u32 s3, s0;
	s1 =	sshll.u32 s1, $0x11  }
0xba: {  	s0 =	sor.u32 s1, s0  }
0xbb: {  	s0 =	sadd.s32 $0x8F2B, s0  }
0xbc: {  	[sflag:s0] =	ssyncadd.remote.s32 $0x1  }
0xbd: {  	_ =	sfence.sel $0xFFFF  }
0xbe: {  	[dreg:$0x0] =	wrdreg $0xFFFFFFFF;
	(pc) =	sbr.abs _section_cstart, $3  }
0xbf: {  	[dreg:$0x1] =	wrdreg $0xFFFFFFFF  }
0xc0: {  	_ =	task.clear_ibuf [dreg:s6], $0x2FFFF;
	_ =	strace $0x9FFFFFFF  }
0xc1: {  	(tm) =	ssettm $0x7FFFFFFF  }
tec
execute0_lowered:
.L_overlay_start_1:
0x0: {  	(tag) =	ssettag $0x1  }
0x1: {  	s1 =	srdreg.scid;
	s0 =	stileid.u32  }
0x2: {  	s8 =	rddreg [dreg:$0x0];
	s6 =	sand.u32 $0x1, s1;
	s30 =	sshll.u32 s0, $0x1  }
0x3: {  	s2 =	simm.s32 $0x0;
	s1 =	rddreg [dreg:$0x1];
	s9 =	sor.u32 s6, s30  }
0x4: {  	s7 =	simm.s32 $0x1;
	[smem:$0x7FF] =	sst s2;
	s3 =	sshll.u32 s9, $0x4  }
0x5: {  	s5 =	sadd.s32 $0x3400, s8;
	_ =	strace $0x8000004D;
	s3 =	sadd.s32 s3, s8  }
0x6: {  	s10 =	ssub.s32 $0x2, s6;
	s4 =	sadd.s32 $0x3200, s3;
	s3 =	simm.s32 $0x2  }
0x7: {  	[tilespmem:s2], [sflag:$0x2] =	stream.linear.gather [hbm4b:s4+s2], $0x80, $0x38;
	[tilespmem:$0x4080] =	vst v63  }
0x8: {  	s6 =	simm.s32 $0x80;
	s11 =	sshrl.u32 s10, $0x1;
	_ =	swait.ge [sflag:s3], $0x80  }
0x9: {  	s9 =	sshll.u32 s9, $0xB;
	s31 =	ssub.s32 s10, s11;
	[sflag:s3] =	ssyncset.done $0x0  }
0xa: {  	s8 =	sadd.s32 s9, s8;
	s9 =	smax.u32 s31, $0x1;
	[sflag:s3] =	ssyncadd.s32 $0xFFFFFF80  }
0xb: {  	[tilespmem:s6], [sflag:$0x1] =	stream.indirect.gather [hbm4b:s5+s6], $0x80, s2, s6, $0xb8;
	[tilespmem:$0x4080] =	vst v63  }
0xc: {  	p0 =	sne.s32 s9, $0x1;
	_ =	swait.ge [sflag:s7], $0x4000  }
.Ltmp0:
0xd: {  	[sflag:s7] =	ssyncset.done $0x0;
	(pc) =	sbr.rel @!p0 .LBB2_2-.Ltmp0, $4  }
0xe: {  	s8 =	sadd.s32 $0x27400, s8;
	[sflag:s7] =	ssyncadd.s32 $0xFFFFC000  }
0xf: {  	[hbm4b:s8+s2] =	stream.linear.scatter [tilespmem:s6], [sflag:$0x2], $0x4000, $0x38;
	[tilespmem:$0x4080] =	vst v63  }
0x10: {  	_ =	swait.ge [sflag:s3], $0x4000  }
0x11: {  	s9 =	sadd.s32 $0xFFFFFFFF, s9;
	[sflag:s3] =	ssyncset.done $0x0  }
.LBB2_1:
0x12: {  	p0 =	sne.s32 s9, $0x1;
	s9 =	sadd.s32 $0xFFFFFFFF, s9;
	[sflag:s3] =	ssyncadd.s32 $0xFFFFC000  }
0x13: {  	[tilespmem:s2], [sflag:$0x2] =	stream.linear.gather [hbm4b:s4+s2], $0x80, $0x38;
	[tilespmem:$0x4080] =	vst v63  }
0x14: {  	_ =	swait.ge [sflag:s3], $0x80  }
0x15: {  	[sflag:s3] =	ssyncset.done $0x0  }
0x16: {  	[sflag:s3] =	ssyncadd.s32 $0xFFFFFF80  }
0x17: {  	[tilespmem:s6], [sflag:$0x1] =	stream.indirect.gather [hbm4b:s5+s6], $0x80, s2, s6, $0xb8;
	[tilespmem:$0x4080] =	vst v63  }
0x18: {  	_ =	swait.ge [sflag:s7], $0x4000  }
.Ltmp1:
0x19: {  	[sflag:s7] =	ssyncset.done $0x0;
	(pc) =	sbr.rel @p0 .LBB2_1-.Ltmp1, $4  }
0x1a: {  	[sflag:s7] =	ssyncadd.s32 $0xFFFFC000  }
0x1b: {  	[hbm4b:s8+s2] =	stream.linear.scatter [tilespmem:s6], [sflag:$0x2], $0x4000, $0x38;
	[tilespmem:$0x4080] =	vst v63  }
0x1c: {  	_ =	swait.ge [sflag:s3], $0x4000  }
0x1d: {  	[sflag:s3] =	ssyncset.done $0x0  }
.LBB2_2:
0x1e: {  	[sflag:s3] =	ssyncadd.s32 $0xFFFFC000  }
0x1f: {  	_ =	sfence.sel $0x180000  }
0x20: {  	[bflag:$0x0] =	sbarrier.arrive $0xFFFF  }
0x21: {  	p0 =	sne.s32 s0, $0x0;
	_ =	strace $0x9000004D  }
0x22: {  	s0 =	sadd.s32 @!p0 $0x100000, s1;
	[bflag:$0x2] =	sbarrier.arrive $0xFFFF  }
0x23: {  	[sflag:s0] =	ssyncadd.tile.s32 @!p0 $0x1;
	_ =	shalt  }
.Lfunc_end2:
_tile_overlayer_lowered:
.L_overlay_start_2:
0x24: {  	(tag) =	ssettag $0x2  }
0x25: {  	s0 =	rddreg [dreg:$0x0];
	s2 =	stileid.u32  }
0x26: {  	s1 =	rddreg [dreg:$0x1];
	p0 =	sne.s32 s2, $0x0  }
0x27: {  	s3 =	rddreg [dreg:$0x2];
	[bflag:$0x3] =	sbarrier.arrive $0xFFFF;
	s2 =	simm.s32 @!p0 $0x1C02  }
0x28: {  	[timem:s3], [sflag:s2] =	dma.local @!p0 [hbm:s0], s1  }
0x29: {  	s0 =	simm.s32 @!p0 $0x2  }
0x2a: {  	_ =	swait.ge @!p0 [sflag:s0], s1  }
0x2b: {  	s1 =	ssub.s32 @!p0 $0x0, s1;
	[sflag:s0] =	ssyncset.done @!p0 $0x0  }
0x2c: {  	[sflag:s0] =	ssyncadd.s32 @!p0 s1  }
0x2d: {  	[bflag:$0x3] =	sbarrier.arrive $0xFFFF  }
0x2e: {  	_ =	shalt  }

</sc_bundles>
